<compile_context>
chip_gen: v7x
topology: tpu7x:2x2x1
jax: 0.10.2.dev20260603
libtpu: 0.0.44.dev20260713+nightly
codegen_flags: <defaults>
</compile_context>

<pallas_src>
import functools

import jax
import jax.numpy as jnp
from jax import lax
from jax.experimental import pallas as pl
from jax.experimental.pallas import tpu as pltpu
from jax.experimental.pallas import tpu_sc as plsc

DICT_SIZE = 1000
_NC = 2
_NS = 16
_CH = 40


def _sc_onehot_body(S, B, idx_hbm, out_hbm, idx0, idx1, buf0, buf1, sem0, sem1):
    nw = _NC * _NS
    wid = lax.axis_index("s") * _NC + lax.axis_index("c")
    nbands = DICT_SIZE // _CH
    nunits = S * nbands
    nk = nunits // nw + 1
    rem = nunits - nw * (nk - 1)
    start = wid * (nk - 1) + jnp.minimum(wid, rem)
    nu = (nk - 1) + (wid < rem).astype(jnp.int32)
    idxs_v = (idx0, idx1)
    bufs = (buf0, buf1)
    sems = (sem0, sem1)

    zeros16 = jnp.zeros((16,), jnp.float32)
    ones16 = jnp.ones((16,), jnp.float32)
    lane = lax.iota(jnp.int32, 16)
    nbch = B // 16

    def _zero(i, carry):
        r = i // nbch
        c = i - r * nbch
        buf0[r, pl.ds(c * 16, 16)] = zeros16
        buf1[r, pl.ds(c * 16, 16)] = zeros16
        return carry

    lax.fori_loop(0, _CH * nbch, _zero, 0, unroll=8)

    def _sd(k):
        u = start + k
        s = u // nbands
        d0 = (u - s * nbands) * _CH
        return u, s, d0

    def _scan(slot, d0, val16):
        def _bchunk(ck, carry):
            idxs = idxs_v[slot][pl.ds(ck * 16, 16)]
            dloc = idxs - d0
            m = plsc.bitcast(dloc, jnp.uint32) < jnp.uint32(_CH)
            plsc.store_scatter(bufs[slot], [dloc, lane + ck * 16], val16, mask=m)
            return carry

        lax.fori_loop(0, nbch, _bchunk, 0, unroll=8)

    def _copy(slot, s, d0):
        return pltpu.make_async_copy(
            bufs[slot], out_hbm.at[s, pl.ds(d0, _CH), :], sems[slot]
        )

    def _pair(g, carry):
        for b in range(2):
            k = 2 * g + b
            u, s, d0 = _sd(k)
            u2, s2, d02 = _sd(k - 2)

            @pl.when(g >= 1)
            def _():
                _copy(b, s2, d02).wait()
                _scan(b, d02, zeros16)

            @pl.when(k < nu)
            def _():
                @pl.when(jnp.logical_or(k <= 1, s != s2))
                def _():
                    pltpu.sync_copy(idx_hbm.at[s], idxs_v[b])

                _scan(b, d0, ones16)
                _copy(b, s, d0).start()

        return carry

    lax.fori_loop(0, nk // 2, _pair, 0)

    u, s, d0 = _sd(nk - 2)
    _copy(0, s, d0).wait()
    u, s, d0 = _sd(nk - 1)

    @pl.when(nk - 1 < nu)
    def _():
        _copy(1, s, d0).wait()


def kernel(input, teacher_forcing):
    S, B = input.shape
    idx = input.astype(jnp.int32)

    sc_call = pl.kernel(
        functools.partial(_sc_onehot_body, S, B),
        out_type=jax.ShapeDtypeStruct((S, DICT_SIZE, B), jnp.float32),
        mesh=plsc.VectorSubcoreMesh(core_axis_name="c", subcore_axis_name="s"),
        scratch_types=[
            pltpu.VMEM((B,), jnp.int32),
            pltpu.VMEM((B,), jnp.int32),
            pltpu.VMEM((_CH, B), jnp.float32),
            pltpu.VMEM((_CH, B), jnp.float32),
            pltpu.SemaphoreType.DMA,
            pltpu.SemaphoreType.DMA,
        ],
        compiler_params=pltpu.CompilerParams(needs_layout_passes=False),
    )
    p2 = jnp.swapaxes(sc_call(idx), 1, 2)
    return (p2, input)

# --- scband reference (transcript-rebuilt; emitter-appended) ---
"""Pipeline reference for scband-identity-71468255805561 (READ-ONLY COPY).

The authoritative reference and input builder live on the scoring server;
editing this copy changes nothing except your own understanding.
"""

import jax, jax.numpy as jnp
import numpy as np

DICT_SIZE = 1000
SEQ_LEN = 50
BATCH = 1024


def setup_inputs(seed: int = 0) -> dict:
    key = jax.random.key(seed)
    inp = jax.random.randint(key, (SEQ_LEN, BATCH), 0, DICT_SIZE)
    return {"input": inp, "teacher_forcing": 1}


def reference(input, teacher_forcing):
    # Faithful translation of Identity.forward:
    # p[i, j, input[i, j]] = 1.0  (scatter-overwrite into a zero tensor)
    S, B = input.shape
    ii = jnp.repeat(jnp.arange(S), B)
    jj = jnp.tile(jnp.arange(B), S)
    flat_idx = input.reshape(-1)
    p = jnp.zeros((S, B, DICT_SIZE), dtype=jnp.float32).at[ii, jj, flat_idx].set(1.0)
    p2 = p * p
    pred = input
    return (p2, pred)

if __name__ == "__main__":
    import jax
    _d = setup_inputs()
    print(jax.jit(kernel)(*tuple(_d.values())))

</pallas_src>

<mosaic_0001>
#map = affine_map<(d0, d1) -> (0, 0)>
#map1 = affine_map<(d0, d1) -> (0, 0, 0)>
module attributes {stable_mosaic.version = 14 : i64} {
  func.func @_sc_onehot_body(%arg0: i32, %arg1: i32, %arg2: memref<50x1024xi32, #tpu.memory_space<hbm>>, %arg3: memref<50x1000x1024xf32, #tpu.memory_space<hbm>>, %arg4: memref<1024xi32, #tpu.memory_space<vmem>>, %arg5: memref<1024xi32, #tpu.memory_space<vmem>>, %arg6: memref<40x1024xf32, #tpu.memory_space<vmem>>, %arg7: memref<40x1024xf32, #tpu.memory_space<vmem>>, %arg8: memref<!tpu.dma_semaphore, #tpu.memory_space<semaphore_mem>>, %arg9: memref<!tpu.dma_semaphore, #tpu.memory_space<semaphore_mem>>) attributes {dimension_semantics = [#tpu.dimension_semantics<core_parallel>, #tpu.dimension_semantics<subcore_parallel>], iteration_bounds = array<i64: 2, 16>, scalar_prefetch = 0 : i64, scratch_operands = 6 : i64, tpu.core_type = #tpu.core_type<sc_vector_subcore>, window_params = [{transform_indices = #map}, {transform_indices = #map1}]} {
    %mul3A = arith.constant 2 : i32
    %mul3A_0 = arith.muli %arg1, %mul3A : i32
    %add3A = arith.addi %mul3A_0, %arg0 : i32
    %mul3A_1 = arith.constant 39 : i32
    %mul3A_2 = arith.muli %add3A, %mul3A_1 : i32
    %min3A = arith.constant 2 : i32
    %min3A_3 = arith.minsi %add3A, %min3A : i32
    %add3A_4 = arith.addi %mul3A_2, %min3A_3 : i32
    %lt3A = arith.constant 2 : i32
    %lt3A_5 = arith.cmpi slt, %add3A, %lt3A : i32
    %convert_element_type3A = arith.extui %lt3A_5 : i1 to i32
    %add3A_6 = arith.constant 39 : i32
    %add3A_7 = arith.addi %add3A_6, %convert_element_type3A : i32
    %broadcast_in_dim3A = arith.constant 0.000000e+00 : f32
    %broadcast_in_dim3A_8 = vector.broadcast %broadcast_in_dim3A : f32 to vector<16xf32>
    %broadcast_in_dim3A_9 = arith.constant 1.000000e+00 : f32
    %broadcast_in_dim3A_10 = vector.broadcast %broadcast_in_dim3A_9 : f32 to vector<16xf32>
    %iota3A = tpu.iota {dimensions = array<i32: 0>} : vector<16xi32>
    %scan3A = arith.constant 0 : i32
    %scan3A_11 = arith.constant 0 : i32
    %scan3A_12 = arith.constant 2560 : i32
    %scan3A_13 = arith.addi %scan3A_11, %scan3A_12 : i32
    %scan3A_14 = arith.constant 8 : i32
    scf.for %scan3A_84 = %scan3A_11 to %scan3A_13 step %scan3A_14  : i32 {
      %jit3A_85 = arith.constant 64 : i32
      %div3A_86 = arith.divsi %scan3A_84, %jit3A_85 : i32
      %sign3A_87 = arith.constant 0 : i32
      %sign3A_88 = arith.cmpi sgt, %scan3A_84, %sign3A_87 : i32
      %sign3A_89 = arith.extui %sign3A_88 : i1 to i32
      %sign3A_90 = arith.constant 0 : i32
      %sign3A_91 = arith.cmpi slt, %scan3A_84, %sign3A_90 : i32
      %sign3A_92 = arith.extui %sign3A_91 : i1 to i32
      %sign3A_93 = arith.subi %sign3A_89, %sign3A_92 : i32
      %sign3A_94 = arith.constant 0 : i32
      %sign3A_95 = arith.cmpi sgt, %jit3A_85, %sign3A_94 : i32
      %sign3A_96 = arith.extui %sign3A_95 : i1 to i32
      %sign3A_97 = arith.constant 0 : i32
      %sign3A_98 = arith.cmpi slt, %jit3A_85, %sign3A_97 : i32
      %sign3A_99 = arith.extui %sign3A_98 : i1 to i32
      %sign3A_100 = arith.subi %sign3A_96, %sign3A_99 : i32
      %ne3A_101 = arith.cmpi ne, %sign3A_93, %sign3A_100 : i32
      %rem3A_102 = arith.remsi %scan3A_84, %jit3A_85 : i32
      %ne3A_103 = arith.constant 0 : i32
      %ne3A_104 = arith.cmpi ne, %rem3A_102, %ne3A_103 : i32
      %and3A_105 = arith.andi %ne3A_101, %ne3A_104 : i1
      %sub3A_106 = arith.constant 1 : i32
      %sub3A_107 = arith.subi %div3A_86, %sub3A_106 : i32
      %select_n3A_108 = arith.select %and3A_105, %sub3A_107, %div3A_86 : i32
      %mul3A_109 = arith.constant 64 : i32
      %mul3A_110 = arith.muli %select_n3A_108, %mul3A_109 : i32
      %sub3A_111 = arith.subi %scan3A_84, %mul3A_110 : i32
      %mul3A_112 = arith.constant 16 : i32
      %mul3A_113 = arith.muli %sub3A_111, %mul3A_112 : i32
      %swap3A = arith.index_cast %select_n3A_108 : i32 to index
      %swap3A_114 = arith.index_cast %mul3A_113 : i32 to index
      %swap3A_115 = tpu.vector_load %arg6[%swap3A, %swap3A_114] {strides = array<i32>} : memref<40x1024xf32, #tpu.memory_space<vmem>>, vector<16xf32>,
      tpu.vector_store %arg6[%swap3A, %swap3A_114], %broadcast_in_dim3A_8 {strides = array<i32>} : memref<40x1024xf32, #tpu.memory_space<vmem>>, vector<16xf32>,
      %mul3A_116 = arith.constant 16 : i32
      %mul3A_117 = arith.muli %sub3A_111, %mul3A_116 : i32
      %swap3A_118 = arith.index_cast %select_n3A_108 : i32 to index
      %swap3A_119 = arith.index_cast %mul3A_117 : i32 to index
      %swap3A_120 = tpu.vector_load %arg7[%swap3A_118, %swap3A_119] {strides = array<i32>} : memref<40x1024xf32, #tpu.memory_space<vmem>>, vector<16xf32>,
      tpu.vector_store %arg7[%swap3A_118, %swap3A_119], %broadcast_in_dim3A_8 {strides = array<i32>} : memref<40x1024xf32, #tpu.memory_space<vmem>>, vector<16xf32>,
      %scan3A_121 = arith.constant 1 : i32
      %scan3A_122 = arith.addi %scan3A_84, %scan3A_121 : i32
      %jit3A_123 = arith.constant 64 : i32
      %div3A_124 = arith.divsi %scan3A_122, %jit3A_123 : i32
      %sign3A_125 = arith.constant 0 : i32
      %sign3A_126 = arith.cmpi sgt, %scan3A_122, %sign3A_125 : i32
      %sign3A_127 = arith.extui %sign3A_126 : i1 to i32
      %sign3A_128 = arith.constant 0 : i32
      %sign3A_129 = arith.cmpi slt, %scan3A_122, %sign3A_128 : i32
      %sign3A_130 = arith.extui %sign3A_129 : i1 to i32
      %sign3A_131 = arith.subi %sign3A_127, %sign3A_130 : i32
      %sign3A_132 = arith.constant 0 : i32
      %sign3A_133 = arith.cmpi sgt, %jit3A_123, %sign3A_132 : i32
      %sign3A_134 = arith.extui %sign3A_133 : i1 to i32
      %sign3A_135 = arith.constant 0 : i32
      %sign3A_136 = arith.cmpi slt, %jit3A_123, %sign3A_135 : i32
      %sign3A_137 = arith.extui %sign3A_136 : i1 to i32
      %sign3A_138 = arith.subi %sign3A_134, %sign3A_137 : i32
      %ne3A_139 = arith.cmpi ne, %sign3A_131, %sign3A_138 : i32
      %rem3A_140 = arith.remsi %scan3A_122, %jit3A_123 : i32
      %ne3A_141 = arith.constant 0 : i32
      %ne3A_142 = arith.cmpi ne, %rem3A_140, %ne3A_141 : i32
      %and3A_143 = arith.andi %ne3A_139, %ne3A_142 : i1
      %sub3A_144 = arith.constant 1 : i32
      %sub3A_145 = arith.subi %div3A_124, %sub3A_144 : i32
      %select_n3A_146 = arith.select %and3A_143, %sub3A_145, %div3A_124 : i32
      %mul3A_147 = arith.constant 64 : i32
      %mul3A_148 = arith.muli %select_n3A_146, %mul3A_147 : i32
      %sub3A_149 = arith.subi %scan3A_122, %mul3A_148 : i32
      %mul3A_150 = arith.constant 16 : i32
      %mul3A_151 = arith.muli %sub3A_149, %mul3A_150 : i32
      %swap3A_152 = arith.index_cast %select_n3A_146 : i32 to index
      %swap3A_153 = arith.index_cast %mul3A_151 : i32 to index
      %swap3A_154 = tpu.vector_load %arg6[%swap3A_152, %swap3A_153] {strides = array<i32>} : memref<40x1024xf32, #tpu.memory_space<vmem>>, vector<16xf32>,
      tpu.vector_store %arg6[%swap3A_152, %swap3A_153], %broadcast_in_dim3A_8 {strides = array<i32>} : memref<40x1024xf32, #tpu.memory_space<vmem>>, vector<16xf32>,
      %mul3A_155 = arith.constant 16 : i32
      %mul3A_156 = arith.muli %sub3A_149, %mul3A_155 : i32
      %swap3A_157 = arith.index_cast %select_n3A_146 : i32 to index
      %swap3A_158 = arith.index_cast %mul3A_156 : i32 to index
      %swap3A_159 = tpu.vector_load %arg7[%swap3A_157, %swap3A_158] {strides = array<i32>} : memref<40x1024xf32, #tpu.memory_space<vmem>>, vector<16xf32>,
      tpu.vector_store %arg7[%swap3A_157, %swap3A_158], %broadcast_in_dim3A_8 {strides = array<i32>} : memref<40x1024xf32, #tpu.memory_space<vmem>>, vector<16xf32>,
      %scan3A_160 = arith.constant 2 : i32
      %scan3A_161 = arith.addi %scan3A_84, %scan3A_160 : i32
      %jit3A_162 = arith.constant 64 : i32
      %div3A_163 = arith.divsi %scan3A_161, %jit3A_162 : i32
      %sign3A_164 = arith.constant 0 : i32
      %sign3A_165 = arith.cmpi sgt, %scan3A_161, %sign3A_164 : i32
      %sign3A_166 = arith.extui %sign3A_165 : i1 to i32
      %sign3A_167 = arith.constant 0 : i32
      %sign3A_168 = arith.cmpi slt, %scan3A_161, %sign3A_167 : i32
      %sign3A_169 = arith.extui %sign3A_168 : i1 to i32
      %sign3A_170 = arith.subi %sign3A_166, %sign3A_169 : i32
      %sign3A_171 = arith.constant 0 : i32
      %sign3A_172 = arith.cmpi sgt, %jit3A_162, %sign3A_171 : i32
      %sign3A_173 = arith.extui %sign3A_172 : i1 to i32
      %sign3A_174 = arith.constant 0 : i32
      %sign3A_175 = arith.cmpi slt, %jit3A_162, %sign3A_174 : i32
      %sign3A_176 = arith.extui %sign3A_175 : i1 to i32
      %sign3A_177 = arith.subi %sign3A_173, %sign3A_176 : i32
      %ne3A_178 = arith.cmpi ne, %sign3A_170, %sign3A_177 : i32
      %rem3A_179 = arith.remsi %scan3A_161, %jit3A_162 : i32
      %ne3A_180 = arith.constant 0 : i32
      %ne3A_181 = arith.cmpi ne, %rem3A_179, %ne3A_180 : i32
      %and3A_182 = arith.andi %ne3A_178, %ne3A_181 : i1
      %sub3A_183 = arith.constant 1 : i32
      %sub3A_184 = arith.subi %div3A_163, %sub3A_183 : i32
      %select_n3A_185 = arith.select %and3A_182, %sub3A_184, %div3A_163 : i32
      %mul3A_186 = arith.constant 64 : i32
      %mul3A_187 = arith.muli %select_n3A_185, %mul3A_186 : i32
      %sub3A_188 = arith.subi %scan3A_161, %mul3A_187 : i32
      %mul3A_189 = arith.constant 16 : i32
      %mul3A_190 = arith.muli %sub3A_188, %mul3A_189 : i32
      %swap3A_191 = arith.index_cast %select_n3A_185 : i32 to index
      %swap3A_192 = arith.index_cast %mul3A_190 : i32 to index
      %swap3A_193 = tpu.vector_load %arg6[%swap3A_191, %swap3A_192] {strides = array<i32>} : memref<40x1024xf32, #tpu.memory_space<vmem>>, vector<16xf32>,
      tpu.vector_store %arg6[%swap3A_191, %swap3A_192], %broadcast_in_dim3A_8 {strides = array<i32>} : memref<40x1024xf32, #tpu.memory_space<vmem>>, vector<16xf32>,
      %mul3A_194 = arith.constant 16 : i32
      %mul3A_195 = arith.muli %sub3A_188, %mul3A_194 : i32
      %swap3A_196 = arith.index_cast %select_n3A_185 : i32 to index
      %swap3A_197 = arith.index_cast %mul3A_195 : i32 to index
      %swap3A_198 = tpu.vector_load %arg7[%swap3A_196, %swap3A_197] {strides = array<i32>} : memref<40x1024xf32, #tpu.memory_space<vmem>>, vector<16xf32>,
      tpu.vector_store %arg7[%swap3A_196, %swap3A_197], %broadcast_in_dim3A_8 {strides = array<i32>} : memref<40x1024xf32, #tpu.memory_space<vmem>>, vector<16xf32>,
      %scan3A_199 = arith.constant 3 : i32
      %scan3A_200 = arith.addi %scan3A_84, %scan3A_199 : i32
      %jit3A_201 = arith.constant 64 : i32
      %div3A_202 = arith.divsi %scan3A_200, %jit3A_201 : i32
      %sign3A_203 = arith.constant 0 : i32
      %sign3A_204 = arith.cmpi sgt, %scan3A_200, %sign3A_203 : i32
      %sign3A_205 = arith.extui %sign3A_204 : i1 to i32
      %sign3A_206 = arith.constant 0 : i32
      %sign3A_207 = arith.cmpi slt, %scan3A_200, %sign3A_206 : i32
      %sign3A_208 = arith.extui %sign3A_207 : i1 to i32
      %sign3A_209 = arith.subi %sign3A_205, %sign3A_208 : i32
      %sign3A_210 = arith.constant 0 : i32
      %sign3A_211 = arith.cmpi sgt, %jit3A_201, %sign3A_210 : i32
      %sign3A_212 = arith.extui %sign3A_211 : i1 to i32
      %sign3A_213 = arith.constant 0 : i32
      %sign3A_214 = arith.cmpi slt, %jit3A_201, %sign3A_213 : i32
      %sign3A_215 = arith.extui %sign3A_214 : i1 to i32
      %sign3A_216 = arith.subi %sign3A_212, %sign3A_215 : i32
      %ne3A_217 = arith.cmpi ne, %sign3A_209, %sign3A_216 : i32
      %rem3A_218 = arith.remsi %scan3A_200, %jit3A_201 : i32
      %ne3A_219 = arith.constant 0 : i32
      %ne3A_220 = arith.cmpi ne, %rem3A_218, %ne3A_219 : i32
      %and3A_221 = arith.andi %ne3A_217, %ne3A_220 : i1
      %sub3A_222 = arith.constant 1 : i32
      %sub3A_223 = arith.subi %div3A_202, %sub3A_222 : i32
      %select_n3A_224 = arith.select %and3A_221, %sub3A_223, %div3A_202 : i32
      %mul3A_225 = arith.constant 64 : i32
      %mul3A_226 = arith.muli %select_n3A_224, %mul3A_225 : i32
      %sub3A_227 = arith.subi %scan3A_200, %mul3A_226 : i32
      %mul3A_228 = arith.constant 16 : i32
      %mul3A_229 = arith.muli %sub3A_227, %mul3A_228 : i32
      %swap3A_230 = arith.index_cast %select_n3A_224 : i32 to index
      %swap3A_231 = arith.index_cast %mul3A_229 : i32 to index
      %swap3A_232 = tpu.vector_load %arg6[%swap3A_230, %swap3A_231] {strides = array<i32>} : memref<40x1024xf32, #tpu.memory_space<vmem>>, vector<16xf32>,
      tpu.vector_store %arg6[%swap3A_230, %swap3A_231], %broadcast_in_dim3A_8 {strides = array<i32>} : memref<40x1024xf32, #tpu.memory_space<vmem>>, vector<16xf32>,
      %mul3A_233 = arith.constant 16 : i32
      %mul3A_234 = arith.muli %sub3A_227, %mul3A_233 : i32
      %swap3A_235 = arith.index_cast %select_n3A_224 : i32 to index
      %swap3A_236 = arith.index_cast %mul3A_234 : i32 to index
      %swap3A_237 = tpu.vector_load %arg7[%swap3A_235, %swap3A_236] {strides = array<i32>} : memref<40x1024xf32, #tpu.memory_space<vmem>>, vector<16xf32>,
      tpu.vector_store %arg7[%swap3A_235, %swap3A_236], %broadcast_in_dim3A_8 {strides = array<i32>} : memref<40x1024xf32, #tpu.memory_space<vmem>>, vector<16xf32>,
      %scan3A_238 = arith.constant 4 : i32
      %scan3A_239 = arith.addi %scan3A_84, %scan3A_238 : i32
      %jit3A_240 = arith.constant 64 : i32
      %div3A_241 = arith.divsi %scan3A_239, %jit3A_240 : i32
      %sign3A_242 = arith.constant 0 : i32
      %sign3A_243 = arith.cmpi sgt, %scan3A_239, %sign3A_242 : i32
      %sign3A_244 = arith.extui %sign3A_243 : i1 to i32
      %sign3A_245 = arith.constant 0 : i32
      %sign3A_246 = arith.cmpi slt, %scan3A_239, %sign3A_245 : i32
      %sign3A_247 = arith.extui %sign3A_246 : i1 to i32
      %sign3A_248 = arith.subi %sign3A_244, %sign3A_247 : i32
      %sign3A_249 = arith.constant 0 : i32
      %sign3A_250 = arith.cmpi sgt, %jit3A_240, %sign3A_249 : i32
      %sign3A_251 = arith.extui %sign3A_250 : i1 to i32
      %sign3A_252 = arith.constant 0 : i32
      %sign3A_253 = arith.cmpi slt, %jit3A_240, %sign3A_252 : i32
      %sign3A_254 = arith.extui %sign3A_253 : i1 to i32
      %sign3A_255 = arith.subi %sign3A_251, %sign3A_254 : i32
      %ne3A_256 = arith.cmpi ne, %sign3A_248, %sign3A_255 : i32
      %rem3A_257 = arith.remsi %scan3A_239, %jit3A_240 : i32
      %ne3A_258 = arith.constant 0 : i32
      %ne3A_259 = arith.cmpi ne, %rem3A_257, %ne3A_258 : i32
      %and3A_260 = arith.andi %ne3A_256, %ne3A_259 : i1
      %sub3A_261 = arith.constant 1 : i32
      %sub3A_262 = arith.subi %div3A_241, %sub3A_261 : i32
      %select_n3A_263 = arith.select %and3A_260, %sub3A_262, %div3A_241 : i32
      %mul3A_264 = arith.constant 64 : i32
      %mul3A_265 = arith.muli %select_n3A_263, %mul3A_264 : i32
      %sub3A_266 = arith.subi %scan3A_239, %mul3A_265 : i32
      %mul3A_267 = arith.constant 16 : i32
      %mul3A_268 = arith.muli %sub3A_266, %mul3A_267 : i32
      %swap3A_269 = arith.index_cast %select_n3A_263 : i32 to index
      %swap3A_270 = arith.index_cast %mul3A_268 : i32 to index
      %swap3A_271 = tpu.vector_load %arg6[%swap3A_269, %swap3A_270] {strides = array<i32>} : memref<40x1024xf32, #tpu.memory_space<vmem>>, vector<16xf32>,
      tpu.vector_store %arg6[%swap3A_269, %swap3A_270], %broadcast_in_dim3A_8 {strides = array<i32>} : memref<40x1024xf32, #tpu.memory_space<vmem>>, vector<16xf32>,
      %mul3A_272 = arith.constant 16 : i32
      %mul3A_273 = arith.muli %sub3A_266, %mul3A_272 : i32
      %swap3A_274 = arith.index_cast %select_n3A_263 : i32 to index
      %swap3A_275 = arith.index_cast %mul3A_273 : i32 to index
      %swap3A_276 = tpu.vector_load %arg7[%swap3A_274, %swap3A_275] {strides = array<i32>} : memref<40x1024xf32, #tpu.memory_space<vmem>>, vector<16xf32>,
      tpu.vector_store %arg7[%swap3A_274, %swap3A_275], %broadcast_in_dim3A_8 {strides = array<i32>} : memref<40x1024xf32, #tpu.memory_space<vmem>>, vector<16xf32>,
      %scan3A_277 = arith.constant 5 : i32
      %scan3A_278 = arith.addi %scan3A_84, %scan3A_277 : i32
      %jit3A_279 = arith.constant 64 : i32
      %div3A_280 = arith.divsi %scan3A_278, %jit3A_279 : i32
      %sign3A_281 = arith.constant 0 : i32
      %sign3A_282 = arith.cmpi sgt, %scan3A_278, %sign3A_281 : i32
      %sign3A_283 = arith.extui %sign3A_282 : i1 to i32
      %sign3A_284 = arith.constant 0 : i32
      %sign3A_285 = arith.cmpi slt, %scan3A_278, %sign3A_284 : i32
      %sign3A_286 = arith.extui %sign3A_285 : i1 to i32
      %sign3A_287 = arith.subi %sign3A_283, %sign3A_286 : i32
      %sign3A_288 = arith.constant 0 : i32
      %sign3A_289 = arith.cmpi sgt, %jit3A_279, %sign3A_288 : i32
      %sign3A_290 = arith.extui %sign3A_289 : i1 to i32
      %sign3A_291 = arith.constant 0 : i32
      %sign3A_292 = arith.cmpi slt, %jit3A_279, %sign3A_291 : i32
      %sign3A_293 = arith.extui %sign3A_292 : i1 to i32
      %sign3A_294 = arith.subi %sign3A_290, %sign3A_293 : i32
      %ne3A_295 = arith.cmpi ne, %sign3A_287, %sign3A_294 : i32
      %rem3A_296 = arith.remsi %scan3A_278, %jit3A_279 : i32
      %ne3A_297 = arith.constant 0 : i32
      %ne3A_298 = arith.cmpi ne, %rem3A_296, %ne3A_297 : i32
      %and3A_299 = arith.andi %ne3A_295, %ne3A_298 : i1
      %sub3A_300 = arith.constant 1 : i32
      %sub3A_301 = arith.subi %div3A_280, %sub3A_300 : i32
      %select_n3A_302 = arith.select %and3A_299, %sub3A_301, %div3A_280 : i32
      %mul3A_303 = arith.constant 64 : i32
      %mul3A_304 = arith.muli %select_n3A_302, %mul3A_303 : i32
      %sub3A_305 = arith.subi %scan3A_278, %mul3A_304 : i32
      %mul3A_306 = arith.constant 16 : i32
      %mul3A_307 = arith.muli %sub3A_305, %mul3A_306 : i32
      %swap3A_308 = arith.index_cast %select_n3A_302 : i32 to index
      %swap3A_309 = arith.index_cast %mul3A_307 : i32 to index
      %swap3A_310 = tpu.vector_load %arg6[%swap3A_308, %swap3A_309] {strides = array<i32>} : memref<40x1024xf32, #tpu.memory_space<vmem>>, vector<16xf32>,
      tpu.vector_store %arg6[%swap3A_308, %swap3A_309], %broadcast_in_dim3A_8 {strides = array<i32>} : memref<40x1024xf32, #tpu.memory_space<vmem>>, vector<16xf32>,
      %mul3A_311 = arith.constant 16 : i32
      %mul3A_312 = arith.muli %sub3A_305, %mul3A_311 : i32
      %swap3A_313 = arith.index_cast %select_n3A_302 : i32 to index
      %swap3A_314 = arith.index_cast %mul3A_312 : i32 to index
      %swap3A_315 = tpu.vector_load %arg7[%swap3A_313, %swap3A_314] {strides = array<i32>} : memref<40x1024xf32, #tpu.memory_space<vmem>>, vector<16xf32>,
      tpu.vector_store %arg7[%swap3A_313, %swap3A_314], %broadcast_in_dim3A_8 {strides = array<i32>} : memref<40x1024xf32, #tpu.memory_space<vmem>>, vector<16xf32>,
      %scan3A_316 = arith.constant 6 : i32
      %scan3A_317 = arith.addi %scan3A_84, %scan3A_316 : i32
      %jit3A_318 = arith.constant 64 : i32
      %div3A_319 = arith.divsi %scan3A_317, %jit3A_318 : i32
      %sign3A_320 = arith.constant 0 : i32
      %sign3A_321 = arith.cmpi sgt, %scan3A_317, %sign3A_320 : i32
      %sign3A_322 = arith.extui %sign3A_321 : i1 to i32
      %sign3A_323 = arith.constant 0 : i32
      %sign3A_324 = arith.cmpi slt, %scan3A_317, %sign3A_323 : i32
      %sign3A_325 = arith.extui %sign3A_324 : i1 to i32
      %sign3A_326 = arith.subi %sign3A_322, %sign3A_325 : i32
      %sign3A_327 = arith.constant 0 : i32
      %sign3A_328 = arith.cmpi sgt, %jit3A_318, %sign3A_327 : i32
      %sign3A_329 = arith.extui %sign3A_328 : i1 to i32
      %sign3A_330 = arith.constant 0 : i32
      %sign3A_331 = arith.cmpi slt, %jit3A_318, %sign3A_330 : i32
      %sign3A_332 = arith.extui %sign3A_331 : i1 to i32
      %sign3A_333 = arith.subi %sign3A_329, %sign3A_332 : i32
      %ne3A_334 = arith.cmpi ne, %sign3A_326, %sign3A_333 : i32
      %rem3A_335 = arith.remsi %scan3A_317, %jit3A_318 : i32
      %ne3A_336 = arith.constant 0 : i32
      %ne3A_337 = arith.cmpi ne, %rem3A_335, %ne3A_336 : i32
      %and3A_338 = arith.andi %ne3A_334, %ne3A_337 : i1
      %sub3A_339 = arith.constant 1 : i32
      %sub3A_340 = arith.subi %div3A_319, %sub3A_339 : i32
      %select_n3A_341 = arith.select %and3A_338, %sub3A_340, %div3A_319 : i32
      %mul3A_342 = arith.constant 64 : i32
      %mul3A_343 = arith.muli %select_n3A_341, %mul3A_342 : i32
      %sub3A_344 = arith.subi %scan3A_317, %mul3A_343 : i32
      %mul3A_345 = arith.constant 16 : i32
      %mul3A_346 = arith.muli %sub3A_344, %mul3A_345 : i32
      %swap3A_347 = arith.index_cast %select_n3A_341 : i32 to index
      %swap3A_348 = arith.index_cast %mul3A_346 : i32 to index
      %swap3A_349 = tpu.vector_load %arg6[%swap3A_347, %swap3A_348] {strides = array<i32>} : memref<40x1024xf32, #tpu.memory_space<vmem>>, vector<16xf32>,
      tpu.vector_store %arg6[%swap3A_347, %swap3A_348], %broadcast_in_dim3A_8 {strides = array<i32>} : memref<40x1024xf32, #tpu.memory_space<vmem>>, vector<16xf32>,
      %mul3A_350 = arith.constant 16 : i32
      %mul3A_351 = arith.muli %sub3A_344, %mul3A_350 : i32
      %swap3A_352 = arith.index_cast %select_n3A_341 : i32 to index
      %swap3A_353 = arith.index_cast %mul3A_351 : i32 to index
      %swap3A_354 = tpu.vector_load %arg7[%swap3A_352, %swap3A_353] {strides = array<i32>} : memref<40x1024xf32, #tpu.memory_space<vmem>>, vector<16xf32>,
      tpu.vector_store %arg7[%swap3A_352, %swap3A_353], %broadcast_in_dim3A_8 {strides = array<i32>} : memref<40x1024xf32, #tpu.memory_space<vmem>>, vector<16xf32>,
      %scan3A_355 = arith.constant 7 : i32
      %scan3A_356 = arith.addi %scan3A_84, %scan3A_355 : i32
      %jit3A_357 = arith.constant 64 : i32
      %div3A_358 = arith.divsi %scan3A_356, %jit3A_357 : i32
      %sign3A_359 = arith.constant 0 : i32
      %sign3A_360 = arith.cmpi sgt, %scan3A_356, %sign3A_359 : i32
      %sign3A_361 = arith.extui %sign3A_360 : i1 to i32
      %sign3A_362 = arith.constant 0 : i32
      %sign3A_363 = arith.cmpi slt, %scan3A_356, %sign3A_362 : i32
      %sign3A_364 = arith.extui %sign3A_363 : i1 to i32
      %sign3A_365 = arith.subi %sign3A_361, %sign3A_364 : i32
      %sign3A_366 = arith.constant 0 : i32
      %sign3A_367 = arith.cmpi sgt, %jit3A_357, %sign3A_366 : i32
      %sign3A_368 = arith.extui %sign3A_367 : i1 to i32
      %sign3A_369 = arith.constant 0 : i32
      %sign3A_370 = arith.cmpi slt, %jit3A_357, %sign3A_369 : i32
      %sign3A_371 = arith.extui %sign3A_370 : i1 to i32
      %sign3A_372 = arith.subi %sign3A_368, %sign3A_371 : i32
      %ne3A_373 = arith.cmpi ne, %sign3A_365, %sign3A_372 : i32
      %rem3A_374 = arith.remsi %scan3A_356, %jit3A_357 : i32
      %ne3A_375 = arith.constant 0 : i32
      %ne3A_376 = arith.cmpi ne, %rem3A_374, %ne3A_375 : i32
      %and3A_377 = arith.andi %ne3A_373, %ne3A_376 : i1
      %sub3A_378 = arith.constant 1 : i32
      %sub3A_379 = arith.subi %div3A_358, %sub3A_378 : i32
      %select_n3A_380 = arith.select %and3A_377, %sub3A_379, %div3A_358 : i32
      %mul3A_381 = arith.constant 64 : i32
      %mul3A_382 = arith.muli %select_n3A_380, %mul3A_381 : i32
      %sub3A_383 = arith.subi %scan3A_356, %mul3A_382 : i32
      %mul3A_384 = arith.constant 16 : i32
      %mul3A_385 = arith.muli %sub3A_383, %mul3A_384 : i32
      %swap3A_386 = arith.index_cast %select_n3A_380 : i32 to index
      %swap3A_387 = arith.index_cast %mul3A_385 : i32 to index
      %swap3A_388 = tpu.vector_load %arg6[%swap3A_386, %swap3A_387] {strides = array<i32>} : memref<40x1024xf32, #tpu.memory_space<vmem>>, vector<16xf32>,
      tpu.vector_store %arg6[%swap3A_386, %swap3A_387], %broadcast_in_dim3A_8 {strides = array<i32>} : memref<40x1024xf32, #tpu.memory_space<vmem>>, vector<16xf32>,
      %mul3A_389 = arith.constant 16 : i32
      %mul3A_390 = arith.muli %sub3A_383, %mul3A_389 : i32
      %swap3A_391 = arith.index_cast %select_n3A_380 : i32 to index
      %swap3A_392 = arith.index_cast %mul3A_390 : i32 to index
      %swap3A_393 = tpu.vector_load %arg7[%swap3A_391, %swap3A_392] {strides = array<i32>} : memref<40x1024xf32, #tpu.memory_space<vmem>>, vector<16xf32>,
      tpu.vector_store %arg7[%swap3A_391, %swap3A_392], %broadcast_in_dim3A_8 {strides = array<i32>} : memref<40x1024xf32, #tpu.memory_space<vmem>>, vector<16xf32>,
    }
    %scan3A_15 = arith.constant 2560 : i32
    %scan3A_16 = arith.constant 0 : i32
    %scan3A_17 = arith.constant 0 : i32
    %scan3A_18 = arith.constant 20 : i32
    %scan3A_19 = arith.addi %scan3A_17, %scan3A_18 : i32
    %scan3A_20 = arith.constant 1 : i32
    scf.for %scan3A_84 = %scan3A_17 to %scan3A_19 step %scan3A_20  : i32 {
      %mul3A_85 = arith.constant 2 : i32
      %mul3A_86 = arith.muli %mul3A_85, %scan3A_84 : i32
      %add3A_87 = arith.constant 0 : i32
      %add3A_88 = arith.addi %mul3A_86, %add3A_87 : i32
      %add3A_89 = arith.addi %add3A_4, %add3A_88 : i32
      %jit3A_90 = arith.constant 25 : i32
      %div3A_91 = arith.divsi %add3A_89, %jit3A_90 : i32
      %sign3A_92 = arith.constant 0 : i32
      %sign3A_93 = arith.cmpi sgt, %add3A_89, %sign3A_92 : i32
      %sign3A_94 = arith.extui %sign3A_93 : i1 to i32
      %sign3A_95 = arith.constant 0 : i32
      %sign3A_96 = arith.cmpi slt, %add3A_89, %sign3A_95 : i32
      %sign3A_97 = arith.extui %sign3A_96 : i1 to i32
      %sign3A_98 = arith.subi %sign3A_94, %sign3A_97 : i32
      %sign3A_99 = arith.constant 0 : i32
      %sign3A_100 = arith.cmpi sgt, %jit3A_90, %sign3A_99 : i32
      %sign3A_101 = arith.extui %sign3A_100 : i1 to i32
      %sign3A_102 = arith.constant 0 : i32
      %sign3A_103 = arith.cmpi slt, %jit3A_90, %sign3A_102 : i32
      %sign3A_104 = arith.extui %sign3A_103 : i1 to i32
      %sign3A_105 = arith.subi %sign3A_101, %sign3A_104 : i32
      %ne3A_106 = arith.cmpi ne, %sign3A_98, %sign3A_105 : i32
      %rem3A_107 = arith.remsi %add3A_89, %jit3A_90 : i32
      %ne3A_108 = arith.constant 0 : i32
      %ne3A_109 = arith.cmpi ne, %rem3A_107, %ne3A_108 : i32
      %and3A_110 = arith.andi %ne3A_106, %ne3A_109 : i1
      %sub3A_111 = arith.constant 1 : i32
      %sub3A_112 = arith.subi %div3A_91, %sub3A_111 : i32
      %select_n3A_113 = arith.select %and3A_110, %sub3A_112, %div3A_91 : i32
      %mul3A_114 = arith.constant 25 : i32
      %mul3A_115 = arith.muli %select_n3A_113, %mul3A_114 : i32
      %sub3A_116 = arith.subi %add3A_89, %mul3A_115 : i32
      %mul3A_117 = arith.constant 40 : i32
      %mul3A_118 = arith.muli %sub3A_116, %mul3A_117 : i32
      %sub3A_119 = arith.constant 2 : i32
      %sub3A_120 = arith.subi %add3A_88, %sub3A_119 : i32
      %add3A_121 = arith.addi %add3A_4, %sub3A_120 : i32
      %jit3A_122 = arith.constant 25 : i32
      %div3A_123 = arith.divsi %add3A_121, %jit3A_122 : i32
      %sign3A_124 = arith.constant 0 : i32
      %sign3A_125 = arith.cmpi sgt, %add3A_121, %sign3A_124 : i32
      %sign3A_126 = arith.extui %sign3A_125 : i1 to i32
      %sign3A_127 = arith.constant 0 : i32
      %sign3A_128 = arith.cmpi slt, %add3A_121, %sign3A_127 : i32
      %sign3A_129 = arith.extui %sign3A_128 : i1 to i32
      %sign3A_130 = arith.subi %sign3A_126, %sign3A_129 : i32
      %sign3A_131 = arith.constant 0 : i32
      %sign3A_132 = arith.cmpi sgt, %jit3A_122, %sign3A_131 : i32
      %sign3A_133 = arith.extui %sign3A_132 : i1 to i32
      %sign3A_134 = arith.constant 0 : i32
      %sign3A_135 = arith.cmpi slt, %jit3A_122, %sign3A_134 : i32
      %sign3A_136 = arith.extui %sign3A_135 : i1 to i32
      %sign3A_137 = arith.subi %sign3A_133, %sign3A_136 : i32
      %ne3A_138 = arith.cmpi ne, %sign3A_130, %sign3A_137 : i32
      %rem3A_139 = arith.remsi %add3A_121, %jit3A_122 : i32
      %ne3A_140 = arith.constant 0 : i32
      %ne3A_141 = arith.cmpi ne, %rem3A_139, %ne3A_140 : i32
      %and3A_142 = arith.andi %ne3A_138, %ne3A_141 : i1
      %sub3A_143 = arith.constant 1 : i32
      %sub3A_144 = arith.subi %div3A_123, %sub3A_143 : i32
      %select_n3A_145 = arith.select %and3A_142, %sub3A_144, %div3A_123 : i32
      %mul3A_146 = arith.constant 25 : i32
      %mul3A_147 = arith.muli %select_n3A_145, %mul3A_146 : i32
      %sub3A_148 = arith.subi %add3A_121, %mul3A_147 : i32
      %mul3A_149 = arith.constant 40 : i32
      %mul3A_150 = arith.muli %sub3A_148, %mul3A_149 : i32
      %ge3A = arith.constant 1 : i32
      %ge3A_151 = arith.cmpi sge, %scan3A_84, %ge3A : i32
      %convert_element_type3A_152 = arith.extui %ge3A_151 : i1 to i32
      %cond3A_153 = arith.constant 0 : i32
      %cond3A_154 = arith.cmpi ne, %convert_element_type3A_152, %cond3A_153 : i32
      scf.if %cond3A_154 {
        %dma_wait3A_234 = arith.constant 0 : i32
        %dma_wait3A_235 = tpu.memref_slice %arg3[%select_n3A_145, %mul3A_150, %dma_wait3A_234] : memref<50x1000x1024xf32, #tpu.memory_space<hbm>> -> memref<1x40x1024xf32, #tpu.memory_space<hbm>>
        %dma_wait3A_236 = tpu.memref_squeeze %dma_wait3A_235 : memref<1x40x1024xf32, #tpu.memory_space<hbm>> -> memref<40x1024xf32, #tpu.memory_space<hbm>>
        %dma_wait3A_237 = arith.constant 0 : i32
        %dma_wait3A_238 = tpu.memref_slice %arg3[%select_n3A_145, %mul3A_150, %dma_wait3A_237] : memref<50x1000x1024xf32, #tpu.memory_space<hbm>> -> memref<1x40x1024xf32, #tpu.memory_space<hbm>>
        %dma_wait3A_239 = tpu.memref_squeeze %dma_wait3A_238 : memref<1x40x1024xf32, #tpu.memory_space<hbm>> -> memref<40x1024xf32, #tpu.memory_space<hbm>>
        tpu.wait_dma2 semaphore(%arg8 : memref<!tpu.dma_semaphore, #tpu.memory_space<semaphore_mem>>) src(%arg6 : memref<40x1024xf32, #tpu.memory_space<vmem>>) dst(%dma_wait3A_239 : memref<40x1024xf32, #tpu.memory_space<hbm>>)
        %scan3A_240 = arith.constant 0 : i32
        %scan3A_241 = arith.constant 0 : i32
        %scan3A_242 = arith.constant 64 : i32
        %scan3A_243 = arith.addi %scan3A_241, %scan3A_242 : i32
        %scan3A_244 = arith.constant 8 : i32
        scf.for %scan3A_246 = %scan3A_241 to %scan3A_243 step %scan3A_244  : i32 {
          %mul3A_247 = arith.constant 16 : i32
          %mul3A_248 = arith.muli %scan3A_246, %mul3A_247 : i32
          %get3A = arith.index_cast %mul3A_248 : i32 to index
          %get3A_249 = tpu.vector_load %arg4[%get3A] {strides = array<i32>} : memref<1024xi32, #tpu.memory_space<vmem>>, vector<16xi32>,
          %sub3A_250 = vector.broadcast %mul3A_150 : i32 to vector<16xi32>
          %sub3A_251 = arith.subi %get3A_249, %sub3A_250 : vector<16xi32>
          %bitcast3A = vector.bitcast %sub3A_251 : vector<16xi32> to vector<16xi32>
          %lt3A_252 = arith.constant 40 : i32
          %lt3A_253 = vector.broadcast %lt3A_252 : i32 to vector<16xi32>
          %lt3A_254 = arith.cmpi ult, %bitcast3A, %lt3A_253 : vector<16xi32>
          %mul3A_255 = arith.constant 16 : i32
          %mul3A_256 = arith.muli %scan3A_246, %mul3A_255 : i32
          %add3A_257 = vector.broadcast %mul3A_256 : i32 to vector<16xi32>
          %add3A_258 = arith.addi %iota3A, %add3A_257 : vector<16xi32>
          tpu.vector_store_idx %arg6[%sub3A_251, %add3A_258], %broadcast_in_dim3A_8 masked %lt3A_254 : memref<40x1024xf32, #tpu.memory_space<vmem>>[vector<16xi32>, vector<16xi32>], vector<16xf32>, vector<16xi1>
          %scan3A_259 = arith.constant 1 : i32
          %scan3A_260 = arith.addi %scan3A_246, %scan3A_259 : i32
          %mul3A_261 = arith.constant 16 : i32
          %mul3A_262 = arith.muli %scan3A_260, %mul3A_261 : i32
          %get3A_263 = arith.index_cast %mul3A_262 : i32 to index
          %get3A_264 = tpu.vector_load %arg4[%get3A_263] {strides = array<i32>} : memref<1024xi32, #tpu.memory_space<vmem>>, vector<16xi32>,
          %sub3A_265 = vector.broadcast %mul3A_150 : i32 to vector<16xi32>
          %sub3A_266 = arith.subi %get3A_264, %sub3A_265 : vector<16xi32>
          %bitcast3A_267 = vector.bitcast %sub3A_266 : vector<16xi32> to vector<16xi32>
          %lt3A_268 = arith.constant 40 : i32
          %lt3A_269 = vector.broadcast %lt3A_268 : i32 to vector<16xi32>
          %lt3A_270 = arith.cmpi ult, %bitcast3A_267, %lt3A_269 : vector<16xi32>
          %mul3A_271 = arith.constant 16 : i32
          %mul3A_272 = arith.muli %scan3A_260, %mul3A_271 : i32
          %add3A_273 = vector.broadcast %mul3A_272 : i32 to vector<16xi32>
          %add3A_274 = arith.addi %iota3A, %add3A_273 : vector<16xi32>
          tpu.vector_store_idx %arg6[%sub3A_266, %add3A_274], %broadcast_in_dim3A_8 masked %lt3A_270 : memref<40x1024xf32, #tpu.memory_space<vmem>>[vector<16xi32>, vector<16xi32>], vector<16xf32>, vector<16xi1>
          %scan3A_275 = arith.constant 2 : i32
          %scan3A_276 = arith.addi %scan3A_246, %scan3A_275 : i32
          %mul3A_277 = arith.constant 16 : i32
          %mul3A_278 = arith.muli %scan3A_276, %mul3A_277 : i32
          %get3A_279 = arith.index_cast %mul3A_278 : i32 to index
          %get3A_280 = tpu.vector_load %arg4[%get3A_279] {strides = array<i32>} : memref<1024xi32, #tpu.memory_space<vmem>>, vector<16xi32>,
          %sub3A_281 = vector.broadcast %mul3A_150 : i32 to vector<16xi32>
          %sub3A_282 = arith.subi %get3A_280, %sub3A_281 : vector<16xi32>
          %bitcast3A_283 = vector.bitcast %sub3A_282 : vector<16xi32> to vector<16xi32>
          %lt3A_284 = arith.constant 40 : i32
          %lt3A_285 = vector.broadcast %lt3A_284 : i32 to vector<16xi32>
          %lt3A_286 = arith.cmpi ult, %bitcast3A_283, %lt3A_285 : vector<16xi32>
          %mul3A_287 = arith.constant 16 : i32
          %mul3A_288 = arith.muli %scan3A_276, %mul3A_287 : i32
          %add3A_289 = vector.broadcast %mul3A_288 : i32 to vector<16xi32>
          %add3A_290 = arith.addi %iota3A, %add3A_289 : vector<16xi32>
          tpu.vector_store_idx %arg6[%sub3A_282, %add3A_290], %broadcast_in_dim3A_8 masked %lt3A_286 : memref<40x1024xf32, #tpu.memory_space<vmem>>[vector<16xi32>, vector<16xi32>], vector<16xf32>, vector<16xi1>
          %scan3A_291 = arith.constant 3 : i32
          %scan3A_292 = arith.addi %scan3A_246, %scan3A_291 : i32
          %mul3A_293 = arith.constant 16 : i32
          %mul3A_294 = arith.muli %scan3A_292, %mul3A_293 : i32
          %get3A_295 = arith.index_cast %mul3A_294 : i32 to index
          %get3A_296 = tpu.vector_load %arg4[%get3A_295] {strides = array<i32>} : memref<1024xi32, #tpu.memory_space<vmem>>, vector<16xi32>,
          %sub3A_297 = vector.broadcast %mul3A_150 : i32 to vector<16xi32>
          %sub3A_298 = arith.subi %get3A_296, %sub3A_297 : vector<16xi32>
          %bitcast3A_299 = vector.bitcast %sub3A_298 : vector<16xi32> to vector<16xi32>
          %lt3A_300 = arith.constant 40 : i32
          %lt3A_301 = vector.broadcast %lt3A_300 : i32 to vector<16xi32>
          %lt3A_302 = arith.cmpi ult, %bitcast3A_299, %lt3A_301 : vector<16xi32>
          %mul3A_303 = arith.constant 16 : i32
          %mul3A_304 = arith.muli %scan3A_292, %mul3A_303 : i32
          %add3A_305 = vector.broadcast %mul3A_304 : i32 to vector<16xi32>
          %add3A_306 = arith.addi %iota3A, %add3A_305 : vector<16xi32>
          tpu.vector_store_idx %arg6[%sub3A_298, %add3A_306], %broadcast_in_dim3A_8 masked %lt3A_302 : memref<40x1024xf32, #tpu.memory_space<vmem>>[vector<16xi32>, vector<16xi32>], vector<16xf32>, vector<16xi1>
          %scan3A_307 = arith.constant 4 : i32
          %scan3A_308 = arith.addi %scan3A_246, %scan3A_307 : i32
          %mul3A_309 = arith.constant 16 : i32
          %mul3A_310 = arith.muli %scan3A_308, %mul3A_309 : i32
          %get3A_311 = arith.index_cast %mul3A_310 : i32 to index
          %get3A_312 = tpu.vector_load %arg4[%get3A_311] {strides = array<i32>} : memref<1024xi32, #tpu.memory_space<vmem>>, vector<16xi32>,
          %sub3A_313 = vector.broadcast %mul3A_150 : i32 to vector<16xi32>
          %sub3A_314 = arith.subi %get3A_312, %sub3A_313 : vector<16xi32>
          %bitcast3A_315 = vector.bitcast %sub3A_314 : vector<16xi32> to vector<16xi32>
          %lt3A_316 = arith.constant 40 : i32
          %lt3A_317 = vector.broadcast %lt3A_316 : i32 to vector<16xi32>
          %lt3A_318 = arith.cmpi ult, %bitcast3A_315, %lt3A_317 : vector<16xi32>
          %mul3A_319 = arith.constant 16 : i32
          %mul3A_320 = arith.muli %scan3A_308, %mul3A_319 : i32
          %add3A_321 = vector.broadcast %mul3A_320 : i32 to vector<16xi32>
          %add3A_322 = arith.addi %iota3A, %add3A_321 : vector<16xi32>
          tpu.vector_store_idx %arg6[%sub3A_314, %add3A_322], %broadcast_in_dim3A_8 masked %lt3A_318 : memref<40x1024xf32, #tpu.memory_space<vmem>>[vector<16xi32>, vector<16xi32>], vector<16xf32>, vector<16xi1>
          %scan3A_323 = arith.constant 5 : i32
          %scan3A_324 = arith.addi %scan3A_246, %scan3A_323 : i32
          %mul3A_325 = arith.constant 16 : i32
          %mul3A_326 = arith.muli %scan3A_324, %mul3A_325 : i32
          %get3A_327 = arith.index_cast %mul3A_326 : i32 to index
          %get3A_328 = tpu.vector_load %arg4[%get3A_327] {strides = array<i32>} : memref<1024xi32, #tpu.memory_space<vmem>>, vector<16xi32>,
          %sub3A_329 = vector.broadcast %mul3A_150 : i32 to vector<16xi32>
          %sub3A_330 = arith.subi %get3A_328, %sub3A_329 : vector<16xi32>
          %bitcast3A_331 = vector.bitcast %sub3A_330 : vector<16xi32> to vector<16xi32>
          %lt3A_332 = arith.constant 40 : i32
          %lt3A_333 = vector.broadcast %lt3A_332 : i32 to vector<16xi32>
          %lt3A_334 = arith.cmpi ult, %bitcast3A_331, %lt3A_333 : vector<16xi32>
          %mul3A_335 = arith.constant 16 : i32
          %mul3A_336 = arith.muli %scan3A_324, %mul3A_335 : i32
          %add3A_337 = vector.broadcast %mul3A_336 : i32 to vector<16xi32>
          %add3A_338 = arith.addi %iota3A, %add3A_337 : vector<16xi32>
          tpu.vector_store_idx %arg6[%sub3A_330, %add3A_338], %broadcast_in_dim3A_8 masked %lt3A_334 : memref<40x1024xf32, #tpu.memory_space<vmem>>[vector<16xi32>, vector<16xi32>], vector<16xf32>, vector<16xi1>
          %scan3A_339 = arith.constant 6 : i32
          %scan3A_340 = arith.addi %scan3A_246, %scan3A_339 : i32
          %mul3A_341 = arith.constant 16 : i32
          %mul3A_342 = arith.muli %scan3A_340, %mul3A_341 : i32
          %get3A_343 = arith.index_cast %mul3A_342 : i32 to index
          %get3A_344 = tpu.vector_load %arg4[%get3A_343] {strides = array<i32>} : memref<1024xi32, #tpu.memory_space<vmem>>, vector<16xi32>,
          %sub3A_345 = vector.broadcast %mul3A_150 : i32 to vector<16xi32>
          %sub3A_346 = arith.subi %get3A_344, %sub3A_345 : vector<16xi32>
          %bitcast3A_347 = vector.bitcast %sub3A_346 : vector<16xi32> to vector<16xi32>
          %lt3A_348 = arith.constant 40 : i32
          %lt3A_349 = vector.broadcast %lt3A_348 : i32 to vector<16xi32>
          %lt3A_350 = arith.cmpi ult, %bitcast3A_347, %lt3A_349 : vector<16xi32>
          %mul3A_351 = arith.constant 16 : i32
          %mul3A_352 = arith.muli %scan3A_340, %mul3A_351 : i32
          %add3A_353 = vector.broadcast %mul3A_352 : i32 to vector<16xi32>
          %add3A_354 = arith.addi %iota3A, %add3A_353 : vector<16xi32>
          tpu.vector_store_idx %arg6[%sub3A_346, %add3A_354], %broadcast_in_dim3A_8 masked %lt3A_350 : memref<40x1024xf32, #tpu.memory_space<vmem>>[vector<16xi32>, vector<16xi32>], vector<16xf32>, vector<16xi1>
          %scan3A_355 = arith.constant 7 : i32
          %scan3A_356 = arith.addi %scan3A_246, %scan3A_355 : i32
          %mul3A_357 = arith.constant 16 : i32
          %mul3A_358 = arith.muli %scan3A_356, %mul3A_357 : i32
          %get3A_359 = arith.index_cast %mul3A_358 : i32 to index
          %get3A_360 = tpu.vector_load %arg4[%get3A_359] {strides = array<i32>} : memref<1024xi32, #tpu.memory_space<vmem>>, vector<16xi32>,
          %sub3A_361 = vector.broadcast %mul3A_150 : i32 to vector<16xi32>
          %sub3A_362 = arith.subi %get3A_360, %sub3A_361 : vector<16xi32>
          %bitcast3A_363 = vector.bitcast %sub3A_362 : vector<16xi32> to vector<16xi32>
          %lt3A_364 = arith.constant 40 : i32
          %lt3A_365 = vector.broadcast %lt3A_364 : i32 to vector<16xi32>
          %lt3A_366 = arith.cmpi ult, %bitcast3A_363, %lt3A_365 : vector<16xi32>
          %mul3A_367 = arith.constant 16 : i32
          %mul3A_368 = arith.muli %scan3A_356, %mul3A_367 : i32
          %add3A_369 = vector.broadcast %mul3A_368 : i32 to vector<16xi32>
          %add3A_370 = arith.addi %iota3A, %add3A_369 : vector<16xi32>
          tpu.vector_store_idx %arg6[%sub3A_362, %add3A_370], %broadcast_in_dim3A_8 masked %lt3A_366 : memref<40x1024xf32, #tpu.memory_space<vmem>>[vector<16xi32>, vector<16xi32>], vector<16xf32>, vector<16xi1>
        }
        %scan3A_245 = arith.constant 64 : i32
      } else {
      }
      %lt3A_155 = arith.cmpi slt, %add3A_88, %add3A_7 : i32
      %convert_element_type3A_156 = arith.extui %lt3A_155 : i1 to i32
      %cond3A_157 = arith.constant 0 : i32
      %cond3A_158 = arith.cmpi ne, %convert_element_type3A_156, %cond3A_157 : i32
      scf.if %cond3A_158 {
        %le3A = arith.constant 1 : i32
        %le3A_234 = arith.cmpi sle, %add3A_88, %le3A : i32
        %ne3A_235 = arith.cmpi ne, %select_n3A_113, %select_n3A_145 : i32
        %or3A = arith.ori %le3A_234, %ne3A_235 : i1
        %convert_element_type3A_236 = arith.extui %or3A : i1 to i32
        %cond3A_237 = arith.constant 0 : i32
        %cond3A_238 = arith.cmpi ne, %convert_element_type3A_236, %cond3A_237 : i32
        scf.if %cond3A_238 {
          "tpu.region"() ({
            %run_scoped3A = tpu.sem_alloc : memref<!tpu.dma_semaphore, #tpu.memory_space<semaphore_mem>>
            %dma_start3A_250 = arith.constant 0 : i32
            %dma_start3A_251 = tpu.memref_slice %arg2[%select_n3A_113, %dma_start3A_250] : memref<50x1024xi32, #tpu.memory_space<hbm>> -> memref<1x1024xi32, #tpu.memory_space<hbm>>
            %dma_start3A_252 = tpu.memref_squeeze %dma_start3A_251 : memref<1x1024xi32, #tpu.memory_space<hbm>> -> memref<1024xi32, #tpu.memory_space<hbm>>
            %dma_start3A_253 = arith.constant 0 : i32
            %dma_start3A_254 = tpu.memref_slice %arg2[%select_n3A_113, %dma_start3A_253] : memref<50x1024xi32, #tpu.memory_space<hbm>> -> memref<1x1024xi32, #tpu.memory_space<hbm>>
            %dma_start3A_255 = tpu.memref_squeeze %dma_start3A_254 : memref<1x1024xi32, #tpu.memory_space<hbm>> -> memref<1024xi32, #tpu.memory_space<hbm>>
            tpu.enqueue_dma source(%dma_start3A_255 : memref<1024xi32, #tpu.memory_space<hbm>>) target(%arg4 : memref<1024xi32, #tpu.memory_space<vmem>>) target_semaphore(%run_scoped3A : memref<!tpu.dma_semaphore, #tpu.memory_space<semaphore_mem>>)
            %dma_wait3A_256 = arith.constant 0 : i32
            %dma_wait3A_257 = tpu.memref_slice %arg2[%select_n3A_113, %dma_wait3A_256] : memref<50x1024xi32, #tpu.memory_space<hbm>> -> memref<1x1024xi32, #tpu.memory_space<hbm>>
            %dma_wait3A_258 = tpu.memref_squeeze %dma_wait3A_257 : memref<1x1024xi32, #tpu.memory_space<hbm>> -> memref<1024xi32, #tpu.memory_space<hbm>>
            %dma_wait3A_259 = arith.constant 0 : i32
            %dma_wait3A_260 = tpu.memref_slice %arg2[%select_n3A_113, %dma_wait3A_259] : memref<50x1024xi32, #tpu.memory_space<hbm>> -> memref<1x1024xi32, #tpu.memory_space<hbm>>
            %dma_wait3A_261 = tpu.memref_squeeze %dma_wait3A_260 : memref<1x1024xi32, #tpu.memory_space<hbm>> -> memref<1024xi32, #tpu.memory_space<hbm>>
            tpu.wait_dma2 semaphore(%run_scoped3A : memref<!tpu.dma_semaphore, #tpu.memory_space<semaphore_mem>>) src(%dma_wait3A_261 : memref<1024xi32, #tpu.memory_space<hbm>>) dst(%arg4 : memref<1024xi32, #tpu.memory_space<vmem>>)
            tpu.yield
          }) : () -> ()
        } else {
        }
        %scan3A_239 = arith.constant 0 : i32
        %scan3A_240 = arith.constant 0 : i32
        %scan3A_241 = arith.constant 64 : i32
        %scan3A_242 = arith.addi %scan3A_240, %scan3A_241 : i32
        %scan3A_243 = arith.constant 8 : i32
        scf.for %scan3A_250 = %scan3A_240 to %scan3A_242 step %scan3A_243  : i32 {
          %mul3A_251 = arith.constant 16 : i32
          %mul3A_252 = arith.muli %scan3A_250, %mul3A_251 : i32
          %get3A = arith.index_cast %mul3A_252 : i32 to index
          %get3A_253 = tpu.vector_load %arg4[%get3A] {strides = array<i32>} : memref<1024xi32, #tpu.memory_space<vmem>>, vector<16xi32>,
          %sub3A_254 = vector.broadcast %mul3A_118 : i32 to vector<16xi32>
          %sub3A_255 = arith.subi %get3A_253, %sub3A_254 : vector<16xi32>
          %bitcast3A = vector.bitcast %sub3A_255 : vector<16xi32> to vector<16xi32>
          %lt3A_256 = arith.constant 40 : i32
          %lt3A_257 = vector.broadcast %lt3A_256 : i32 to vector<16xi32>
          %lt3A_258 = arith.cmpi ult, %bitcast3A, %lt3A_257 : vector<16xi32>
          %mul3A_259 = arith.constant 16 : i32
          %mul3A_260 = arith.muli %scan3A_250, %mul3A_259 : i32
          %add3A_261 = vector.broadcast %mul3A_260 : i32 to vector<16xi32>
          %add3A_262 = arith.addi %iota3A, %add3A_261 : vector<16xi32>
          tpu.vector_store_idx %arg6[%sub3A_255, %add3A_262], %broadcast_in_dim3A_10 masked %lt3A_258 : memref<40x1024xf32, #tpu.memory_space<vmem>>[vector<16xi32>, vector<16xi32>], vector<16xf32>, vector<16xi1>
          %scan3A_263 = arith.constant 1 : i32
          %scan3A_264 = arith.addi %scan3A_250, %scan3A_263 : i32
          %mul3A_265 = arith.constant 16 : i32
          %mul3A_266 = arith.muli %scan3A_264, %mul3A_265 : i32
          %get3A_267 = arith.index_cast %mul3A_266 : i32 to index
          %get3A_268 = tpu.vector_load %arg4[%get3A_267] {strides = array<i32>} : memref<1024xi32, #tpu.memory_space<vmem>>, vector<16xi32>,
          %sub3A_269 = vector.broadcast %mul3A_118 : i32 to vector<16xi32>
          %sub3A_270 = arith.subi %get3A_268, %sub3A_269 : vector<16xi32>
          %bitcast3A_271 = vector.bitcast %sub3A_270 : vector<16xi32> to vector<16xi32>
          %lt3A_272 = arith.constant 40 : i32
          %lt3A_273 = vector.broadcast %lt3A_272 : i32 to vector<16xi32>
          %lt3A_274 = arith.cmpi ult, %bitcast3A_271, %lt3A_273 : vector<16xi32>
          %mul3A_275 = arith.constant 16 : i32
          %mul3A_276 = arith.muli %scan3A_264, %mul3A_275 : i32
          %add3A_277 = vector.broadcast %mul3A_276 : i32 to vector<16xi32>
          %add3A_278 = arith.addi %iota3A, %add3A_277 : vector<16xi32>
          tpu.vector_store_idx %arg6[%sub3A_270, %add3A_278], %broadcast_in_dim3A_10 masked %lt3A_274 : memref<40x1024xf32, #tpu.memory_space<vmem>>[vector<16xi32>, vector<16xi32>], vector<16xf32>, vector<16xi1>
          %scan3A_279 = arith.constant 2 : i32
          %scan3A_280 = arith.addi %scan3A_250, %scan3A_279 : i32
          %mul3A_281 = arith.constant 16 : i32
          %mul3A_282 = arith.muli %scan3A_280, %mul3A_281 : i32
          %get3A_283 = arith.index_cast %mul3A_282 : i32 to index
          %get3A_284 = tpu.vector_load %arg4[%get3A_283] {strides = array<i32>} : memref<1024xi32, #tpu.memory_space<vmem>>, vector<16xi32>,
          %sub3A_285 = vector.broadcast %mul3A_118 : i32 to vector<16xi32>
          %sub3A_286 = arith.subi %get3A_284, %sub3A_285 : vector<16xi32>
          %bitcast3A_287 = vector.bitcast %sub3A_286 : vector<16xi32> to vector<16xi32>
          %lt3A_288 = arith.constant 40 : i32
          %lt3A_289 = vector.broadcast %lt3A_288 : i32 to vector<16xi32>
          %lt3A_290 = arith.cmpi ult, %bitcast3A_287, %lt3A_289 : vector<16xi32>
          %mul3A_291 = arith.constant 16 : i32
          %mul3A_292 = arith.muli %scan3A_280, %mul3A_291 : i32
          %add3A_293 = vector.broadcast %mul3A_292 : i32 to vector<16xi32>
          %add3A_294 = arith.addi %iota3A, %add3A_293 : vector<16xi32>
          tpu.vector_store_idx %arg6[%sub3A_286, %add3A_294], %broadcast_in_dim3A_10 masked %lt3A_290 : memref<40x1024xf32, #tpu.memory_space<vmem>>[vector<16xi32>, vector<16xi32>], vector<16xf32>, vector<16xi1>
          %scan3A_295 = arith.constant 3 : i32
          %scan3A_296 = arith.addi %scan3A_250, %scan3A_295 : i32
          %mul3A_297 = arith.constant 16 : i32
          %mul3A_298 = arith.muli %scan3A_296, %mul3A_297 : i32
          %get3A_299 = arith.index_cast %mul3A_298 : i32 to index
          %get3A_300 = tpu.vector_load %arg4[%get3A_299] {strides = array<i32>} : memref<1024xi32, #tpu.memory_space<vmem>>, vector<16xi32>,
          %sub3A_301 = vector.broadcast %mul3A_118 : i32 to vector<16xi32>
          %sub3A_302 = arith.subi %get3A_300, %sub3A_301 : vector<16xi32>
          %bitcast3A_303 = vector.bitcast %sub3A_302 : vector<16xi32> to vector<16xi32>
          %lt3A_304 = arith.constant 40 : i32
          %lt3A_305 = vector.broadcast %lt3A_304 : i32 to vector<16xi32>
          %lt3A_306 = arith.cmpi ult, %bitcast3A_303, %lt3A_305 : vector<16xi32>
          %mul3A_307 = arith.constant 16 : i32
          %mul3A_308 = arith.muli %scan3A_296, %mul3A_307 : i32
          %add3A_309 = vector.broadcast %mul3A_308 : i32 to vector<16xi32>
          %add3A_310 = arith.addi %iota3A, %add3A_309 : vector<16xi32>
          tpu.vector_store_idx %arg6[%sub3A_302, %add3A_310], %broadcast_in_dim3A_10 masked %lt3A_306 : memref<40x1024xf32, #tpu.memory_space<vmem>>[vector<16xi32>, vector<16xi32>], vector<16xf32>, vector<16xi1>
          %scan3A_311 = arith.constant 4 : i32
          %scan3A_312 = arith.addi %scan3A_250, %scan3A_311 : i32
          %mul3A_313 = arith.constant 16 : i32
          %mul3A_314 = arith.muli %scan3A_312, %mul3A_313 : i32
          %get3A_315 = arith.index_cast %mul3A_314 : i32 to index
          %get3A_316 = tpu.vector_load %arg4[%get3A_315] {strides = array<i32>} : memref<1024xi32, #tpu.memory_space<vmem>>, vector<16xi32>,
          %sub3A_317 = vector.broadcast %mul3A_118 : i32 to vector<16xi32>
          %sub3A_318 = arith.subi %get3A_316, %sub3A_317 : vector<16xi32>
          %bitcast3A_319 = vector.bitcast %sub3A_318 : vector<16xi32> to vector<16xi32>
          %lt3A_320 = arith.constant 40 : i32
          %lt3A_321 = vector.broadcast %lt3A_320 : i32 to vector<16xi32>
          %lt3A_322 = arith.cmpi ult, %bitcast3A_319, %lt3A_321 : vector<16xi32>
          %mul3A_323 = arith.constant 16 : i32
          %mul3A_324 = arith.muli %scan3A_312, %mul3A_323 : i32
          %add3A_325 = vector.broadcast %mul3A_324 : i32 to vector<16xi32>
          %add3A_326 = arith.addi %iota3A, %add3A_325 : vector<16xi32>
          tpu.vector_store_idx %arg6[%sub3A_318, %add3A_326], %broadcast_in_dim3A_10 masked %lt3A_322 : memref<40x1024xf32, #tpu.memory_space<vmem>>[vector<16xi32>, vector<16xi32>], vector<16xf32>, vector<16xi1>
          %scan3A_327 = arith.constant 5 : i32
          %scan3A_328 = arith.addi %scan3A_250, %scan3A_327 : i32
          %mul3A_329 = arith.constant 16 : i32
          %mul3A_330 = arith.muli %scan3A_328, %mul3A_329 : i32
          %get3A_331 = arith.index_cast %mul3A_330 : i32 to index
          %get3A_332 = tpu.vector_load %arg4[%get3A_331] {strides = array<i32>} : memref<1024xi32, #tpu.memory_space<vmem>>, vector<16xi32>,
          %sub3A_333 = vector.broadcast %mul3A_118 : i32 to vector<16xi32>
          %sub3A_334 = arith.subi %get3A_332, %sub3A_333 : vector<16xi32>
          %bitcast3A_335 = vector.bitcast %sub3A_334 : vector<16xi32> to vector<16xi32>
          %lt3A_336 = arith.constant 40 : i32
          %lt3A_337 = vector.broadcast %lt3A_336 : i32 to vector<16xi32>
          %lt3A_338 = arith.cmpi ult, %bitcast3A_335, %lt3A_337 : vector<16xi32>
          %mul3A_339 = arith.constant 16 : i32
          %mul3A_340 = arith.muli %scan3A_328, %mul3A_339 : i32
          %add3A_341 = vector.broadcast %mul3A_340 : i32 to vector<16xi32>
          %add3A_342 = arith.addi %iota3A, %add3A_341 : vector<16xi32>
          tpu.vector_store_idx %arg6[%sub3A_334, %add3A_342], %broadcast_in_dim3A_10 masked %lt3A_338 : memref<40x1024xf32, #tpu.memory_space<vmem>>[vector<16xi32>, vector<16xi32>], vector<16xf32>, vector<16xi1>
          %scan3A_343 = arith.constant 6 : i32
          %scan3A_344 = arith.addi %scan3A_250, %scan3A_343 : i32
          %mul3A_345 = arith.constant 16 : i32
          %mul3A_346 = arith.muli %scan3A_344, %mul3A_345 : i32
          %get3A_347 = arith.index_cast %mul3A_346 : i32 to index
          %get3A_348 = tpu.vector_load %arg4[%get3A_347] {strides = array<i32>} : memref<1024xi32, #tpu.memory_space<vmem>>, vector<16xi32>,
          %sub3A_349 = vector.broadcast %mul3A_118 : i32 to vector<16xi32>
          %sub3A_350 = arith.subi %get3A_348, %sub3A_349 : vector<16xi32>
          %bitcast3A_351 = vector.bitcast %sub3A_350 : vector<16xi32> to vector<16xi32>
          %lt3A_352 = arith.constant 40 : i32
          %lt3A_353 = vector.broadcast %lt3A_352 : i32 to vector<16xi32>
          %lt3A_354 = arith.cmpi ult, %bitcast3A_351, %lt3A_353 : vector<16xi32>
          %mul3A_355 = arith.constant 16 : i32
          %mul3A_356 = arith.muli %scan3A_344, %mul3A_355 : i32
          %add3A_357 = vector.broadcast %mul3A_356 : i32 to vector<16xi32>
          %add3A_358 = arith.addi %iota3A, %add3A_357 : vector<16xi32>
          tpu.vector_store_idx %arg6[%sub3A_350, %add3A_358], %broadcast_in_dim3A_10 masked %lt3A_354 : memref<40x1024xf32, #tpu.memory_space<vmem>>[vector<16xi32>, vector<16xi32>], vector<16xf32>, vector<16xi1>
          %scan3A_359 = arith.constant 7 : i32
          %scan3A_360 = arith.addi %scan3A_250, %scan3A_359 : i32
          %mul3A_361 = arith.constant 16 : i32
          %mul3A_362 = arith.muli %scan3A_360, %mul3A_361 : i32
          %get3A_363 = arith.index_cast %mul3A_362 : i32 to index
          %get3A_364 = tpu.vector_load %arg4[%get3A_363] {strides = array<i32>} : memref<1024xi32, #tpu.memory_space<vmem>>, vector<16xi32>,
          %sub3A_365 = vector.broadcast %mul3A_118 : i32 to vector<16xi32>
          %sub3A_366 = arith.subi %get3A_364, %sub3A_365 : vector<16xi32>
          %bitcast3A_367 = vector.bitcast %sub3A_366 : vector<16xi32> to vector<16xi32>
          %lt3A_368 = arith.constant 40 : i32
          %lt3A_369 = vector.broadcast %lt3A_368 : i32 to vector<16xi32>
          %lt3A_370 = arith.cmpi ult, %bitcast3A_367, %lt3A_369 : vector<16xi32>
          %mul3A_371 = arith.constant 16 : i32
          %mul3A_372 = arith.muli %scan3A_360, %mul3A_371 : i32
          %add3A_373 = vector.broadcast %mul3A_372 : i32 to vector<16xi32>
          %add3A_374 = arith.addi %iota3A, %add3A_373 : vector<16xi32>
          tpu.vector_store_idx %arg6[%sub3A_366, %add3A_374], %broadcast_in_dim3A_10 masked %lt3A_370 : memref<40x1024xf32, #tpu.memory_space<vmem>>[vector<16xi32>, vector<16xi32>], vector<16xf32>, vector<16xi1>
        }
        %scan3A_244 = arith.constant 64 : i32
        %dma_start3A = arith.constant 0 : i32
        %dma_start3A_245 = tpu.memref_slice %arg3[%select_n3A_113, %mul3A_118, %dma_start3A] : memref<50x1000x1024xf32, #tpu.memory_space<hbm>> -> memref<1x40x1024xf32, #tpu.memory_space<hbm>>
        %dma_start3A_246 = tpu.memref_squeeze %dma_start3A_245 : memref<1x40x1024xf32, #tpu.memory_space<hbm>> -> memref<40x1024xf32, #tpu.memory_space<hbm>>
        %dma_start3A_247 = arith.constant 0 : i32
        %dma_start3A_248 = tpu.memref_slice %arg3[%select_n3A_113, %mul3A_118, %dma_start3A_247] : memref<50x1000x1024xf32, #tpu.memory_space<hbm>> -> memref<1x40x1024xf32, #tpu.memory_space<hbm>>
        %dma_start3A_249 = tpu.memref_squeeze %dma_start3A_248 : memref<1x40x1024xf32, #tpu.memory_space<hbm>> -> memref<40x1024xf32, #tpu.memory_space<hbm>>
        tpu.enqueue_dma source(%arg6 : memref<40x1024xf32, #tpu.memory_space<vmem>>) target(%dma_start3A_249 : memref<40x1024xf32, #tpu.memory_space<hbm>>) target_semaphore(%arg8 : memref<!tpu.dma_semaphore, #tpu.memory_space<semaphore_mem>>)
      } else {
      }
      %mul3A_159 = arith.constant 2 : i32
      %mul3A_160 = arith.muli %mul3A_159, %scan3A_84 : i32
      %add3A_161 = arith.constant 1 : i32
      %add3A_162 = arith.addi %mul3A_160, %add3A_161 : i32
      %add3A_163 = arith.addi %add3A_4, %add3A_162 : i32
      %jit3A_164 = arith.constant 25 : i32
      %div3A_165 = arith.divsi %add3A_163, %jit3A_164 : i32
      %sign3A_166 = arith.constant 0 : i32
      %sign3A_167 = arith.cmpi sgt, %add3A_163, %sign3A_166 : i32
      %sign3A_168 = arith.extui %sign3A_167 : i1 to i32
      %sign3A_169 = arith.constant 0 : i32
      %sign3A_170 = arith.cmpi slt, %add3A_163, %sign3A_169 : i32
      %sign3A_171 = arith.extui %sign3A_170 : i1 to i32
      %sign3A_172 = arith.subi %sign3A_168, %sign3A_171 : i32
      %sign3A_173 = arith.constant 0 : i32
      %sign3A_174 = arith.cmpi sgt, %jit3A_164, %sign3A_173 : i32
      %sign3A_175 = arith.extui %sign3A_174 : i1 to i32
      %sign3A_176 = arith.constant 0 : i32
      %sign3A_177 = arith.cmpi slt, %jit3A_164, %sign3A_176 : i32
      %sign3A_178 = arith.extui %sign3A_177 : i1 to i32
      %sign3A_179 = arith.subi %sign3A_175, %sign3A_178 : i32
      %ne3A_180 = arith.cmpi ne, %sign3A_172, %sign3A_179 : i32
      %rem3A_181 = arith.remsi %add3A_163, %jit3A_164 : i32
      %ne3A_182 = arith.constant 0 : i32
      %ne3A_183 = arith.cmpi ne, %rem3A_181, %ne3A_182 : i32
      %and3A_184 = arith.andi %ne3A_180, %ne3A_183 : i1
      %sub3A_185 = arith.constant 1 : i32
      %sub3A_186 = arith.subi %div3A_165, %sub3A_185 : i32
      %select_n3A_187 = arith.select %and3A_184, %sub3A_186, %div3A_165 : i32
      %mul3A_188 = arith.constant 25 : i32
      %mul3A_189 = arith.muli %select_n3A_187, %mul3A_188 : i32
      %sub3A_190 = arith.subi %add3A_163, %mul3A_189 : i32
      %mul3A_191 = arith.constant 40 : i32
      %mul3A_192 = arith.muli %sub3A_190, %mul3A_191 : i32
      %sub3A_193 = arith.constant 2 : i32
      %sub3A_194 = arith.subi %add3A_162, %sub3A_193 : i32
      %add3A_195 = arith.addi %add3A_4, %sub3A_194 : i32
      %jit3A_196 = arith.constant 25 : i32
      %div3A_197 = arith.divsi %add3A_195, %jit3A_196 : i32
      %sign3A_198 = arith.constant 0 : i32
      %sign3A_199 = arith.cmpi sgt, %add3A_195, %sign3A_198 : i32
      %sign3A_200 = arith.extui %sign3A_199 : i1 to i32
      %sign3A_201 = arith.constant 0 : i32
      %sign3A_202 = arith.cmpi slt, %add3A_195, %sign3A_201 : i32
      %sign3A_203 = arith.extui %sign3A_202 : i1 to i32
      %sign3A_204 = arith.subi %sign3A_200, %sign3A_203 : i32
      %sign3A_205 = arith.constant 0 : i32
      %sign3A_206 = arith.cmpi sgt, %jit3A_196, %sign3A_205 : i32
      %sign3A_207 = arith.extui %sign3A_206 : i1 to i32
      %sign3A_208 = arith.constant 0 : i32
      %sign3A_209 = arith.cmpi slt, %jit3A_196, %sign3A_208 : i32
      %sign3A_210 = arith.extui %sign3A_209 : i1 to i32
      %sign3A_211 = arith.subi %sign3A_207, %sign3A_210 : i32
      %ne3A_212 = arith.cmpi ne, %sign3A_204, %sign3A_211 : i32
      %rem3A_213 = arith.remsi %add3A_195, %jit3A_196 : i32
      %ne3A_214 = arith.constant 0 : i32
      %ne3A_215 = arith.cmpi ne, %rem3A_213, %ne3A_214 : i32
      %and3A_216 = arith.andi %ne3A_212, %ne3A_215 : i1
      %sub3A_217 = arith.constant 1 : i32
      %sub3A_218 = arith.subi %div3A_197, %sub3A_217 : i32
      %select_n3A_219 = arith.select %and3A_216, %sub3A_218, %div3A_197 : i32
      %mul3A_220 = arith.constant 25 : i32
      %mul3A_221 = arith.muli %select_n3A_219, %mul3A_220 : i32
      %sub3A_222 = arith.subi %add3A_195, %mul3A_221 : i32
      %mul3A_223 = arith.constant 40 : i32
      %mul3A_224 = arith.muli %sub3A_222, %mul3A_223 : i32
      %ge3A_225 = arith.constant 1 : i32
      %ge3A_226 = arith.cmpi sge, %scan3A_84, %ge3A_225 : i32
      %convert_element_type3A_227 = arith.extui %ge3A_226 : i1 to i32
      %cond3A_228 = arith.constant 0 : i32
      %cond3A_229 = arith.cmpi ne, %convert_element_type3A_227, %cond3A_228 : i32
      scf.if %cond3A_229 {
        %dma_wait3A_234 = arith.constant 0 : i32
        %dma_wait3A_235 = tpu.memref_slice %arg3[%select_n3A_219, %mul3A_224, %dma_wait3A_234] : memref<50x1000x1024xf32, #tpu.memory_space<hbm>> -> memref<1x40x1024xf32, #tpu.memory_space<hbm>>
        %dma_wait3A_236 = tpu.memref_squeeze %dma_wait3A_235 : memref<1x40x1024xf32, #tpu.memory_space<hbm>> -> memref<40x1024xf32, #tpu.memory_space<hbm>>
        %dma_wait3A_237 = arith.constant 0 : i32
        %dma_wait3A_238 = tpu.memref_slice %arg3[%select_n3A_219, %mul3A_224, %dma_wait3A_237] : memref<50x1000x1024xf32, #tpu.memory_space<hbm>> -> memref<1x40x1024xf32, #tpu.memory_space<hbm>>
        %dma_wait3A_239 = tpu.memref_squeeze %dma_wait3A_238 : memref<1x40x1024xf32, #tpu.memory_space<hbm>> -> memref<40x1024xf32, #tpu.memory_space<hbm>>
        tpu.wait_dma2 semaphore(%arg9 : memref<!tpu.dma_semaphore, #tpu.memory_space<semaphore_mem>>) src(%arg7 : memref<40x1024xf32, #tpu.memory_space<vmem>>) dst(%dma_wait3A_239 : memref<40x1024xf32, #tpu.memory_space<hbm>>)
        %scan3A_240 = arith.constant 0 : i32
        %scan3A_241 = arith.constant 0 : i32
        %scan3A_242 = arith.constant 64 : i32
        %scan3A_243 = arith.addi %scan3A_241, %scan3A_242 : i32
        %scan3A_244 = arith.constant 8 : i32
        scf.for %scan3A_246 = %scan3A_241 to %scan3A_243 step %scan3A_244  : i32 {
          %mul3A_247 = arith.constant 16 : i32
          %mul3A_248 = arith.muli %scan3A_246, %mul3A_247 : i32
          %get3A = arith.index_cast %mul3A_248 : i32 to index
          %get3A_249 = tpu.vector_load %arg5[%get3A] {strides = array<i32>} : memref<1024xi32, #tpu.memory_space<vmem>>, vector<16xi32>,
          %sub3A_250 = vector.broadcast %mul3A_224 : i32 to vector<16xi32>
          %sub3A_251 = arith.subi %get3A_249, %sub3A_250 : vector<16xi32>
          %bitcast3A = vector.bitcast %sub3A_251 : vector<16xi32> to vector<16xi32>
          %lt3A_252 = arith.constant 40 : i32
          %lt3A_253 = vector.broadcast %lt3A_252 : i32 to vector<16xi32>
          %lt3A_254 = arith.cmpi ult, %bitcast3A, %lt3A_253 : vector<16xi32>
          %mul3A_255 = arith.constant 16 : i32
          %mul3A_256 = arith.muli %scan3A_246, %mul3A_255 : i32
          %add3A_257 = vector.broadcast %mul3A_256 : i32 to vector<16xi32>
          %add3A_258 = arith.addi %iota3A, %add3A_257 : vector<16xi32>
          tpu.vector_store_idx %arg7[%sub3A_251, %add3A_258], %broadcast_in_dim3A_8 masked %lt3A_254 : memref<40x1024xf32, #tpu.memory_space<vmem>>[vector<16xi32>, vector<16xi32>], vector<16xf32>, vector<16xi1>
          %scan3A_259 = arith.constant 1 : i32
          %scan3A_260 = arith.addi %scan3A_246, %scan3A_259 : i32
          %mul3A_261 = arith.constant 16 : i32
          %mul3A_262 = arith.muli %scan3A_260, %mul3A_261 : i32
          %get3A_263 = arith.index_cast %mul3A_262 : i32 to index
          %get3A_264 = tpu.vector_load %arg5[%get3A_263] {strides = array<i32>} : memref<1024xi32, #tpu.memory_space<vmem>>, vector<16xi32>,
          %sub3A_265 = vector.broadcast %mul3A_224 : i32 to vector<16xi32>
          %sub3A_266 = arith.subi %get3A_264, %sub3A_265 : vector<16xi32>
          %bitcast3A_267 = vector.bitcast %sub3A_266 : vector<16xi32> to vector<16xi32>
          %lt3A_268 = arith.constant 40 : i32
          %lt3A_269 = vector.broadcast %lt3A_268 : i32 to vector<16xi32>
          %lt3A_270 = arith.cmpi ult, %bitcast3A_267, %lt3A_269 : vector<16xi32>
          %mul3A_271 = arith.constant 16 : i32
          %mul3A_272 = arith.muli %scan3A_260, %mul3A_271 : i32
          %add3A_273 = vector.broadcast %mul3A_272 : i32 to vector<16xi32>
          %add3A_274 = arith.addi %iota3A, %add3A_273 : vector<16xi32>
          tpu.vector_store_idx %arg7[%sub3A_266, %add3A_274], %broadcast_in_dim3A_8 masked %lt3A_270 : memref<40x1024xf32, #tpu.memory_space<vmem>>[vector<16xi32>, vector<16xi32>], vector<16xf32>, vector<16xi1>
          %scan3A_275 = arith.constant 2 : i32
          %scan3A_276 = arith.addi %scan3A_246, %scan3A_275 : i32
          %mul3A_277 = arith.constant 16 : i32
          %mul3A_278 = arith.muli %scan3A_276, %mul3A_277 : i32
          %get3A_279 = arith.index_cast %mul3A_278 : i32 to index
          %get3A_280 = tpu.vector_load %arg5[%get3A_279] {strides = array<i32>} : memref<1024xi32, #tpu.memory_space<vmem>>, vector<16xi32>,
          %sub3A_281 = vector.broadcast %mul3A_224 : i32 to vector<16xi32>
          %sub3A_282 = arith.subi %get3A_280, %sub3A_281 : vector<16xi32>
          %bitcast3A_283 = vector.bitcast %sub3A_282 : vector<16xi32> to vector<16xi32>
          %lt3A_284 = arith.constant 40 : i32
          %lt3A_285 = vector.broadcast %lt3A_284 : i32 to vector<16xi32>
          %lt3A_286 = arith.cmpi ult, %bitcast3A_283, %lt3A_285 : vector<16xi32>
          %mul3A_287 = arith.constant 16 : i32
          %mul3A_288 = arith.muli %scan3A_276, %mul3A_287 : i32
          %add3A_289 = vector.broadcast %mul3A_288 : i32 to vector<16xi32>
          %add3A_290 = arith.addi %iota3A, %add3A_289 : vector<16xi32>
          tpu.vector_store_idx %arg7[%sub3A_282, %add3A_290], %broadcast_in_dim3A_8 masked %lt3A_286 : memref<40x1024xf32, #tpu.memory_space<vmem>>[vector<16xi32>, vector<16xi32>], vector<16xf32>, vector<16xi1>
          %scan3A_291 = arith.constant 3 : i32
          %scan3A_292 = arith.addi %scan3A_246, %scan3A_291 : i32
          %mul3A_293 = arith.constant 16 : i32
          %mul3A_294 = arith.muli %scan3A_292, %mul3A_293 : i32
          %get3A_295 = arith.index_cast %mul3A_294 : i32 to index
          %get3A_296 = tpu.vector_load %arg5[%get3A_295] {strides = array<i32>} : memref<1024xi32, #tpu.memory_space<vmem>>, vector<16xi32>,
          %sub3A_297 = vector.broadcast %mul3A_224 : i32 to vector<16xi32>
          %sub3A_298 = arith.subi %get3A_296, %sub3A_297 : vector<16xi32>
          %bitcast3A_299 = vector.bitcast %sub3A_298 : vector<16xi32> to vector<16xi32>
          %lt3A_300 = arith.constant 40 : i32
          %lt3A_301 = vector.broadcast %lt3A_300 : i32 to vector<16xi32>
          %lt3A_302 = arith.cmpi ult, %bitcast3A_299, %lt3A_301 : vector<16xi32>
          %mul3A_303 = arith.constant 16 : i32
          %mul3A_304 = arith.muli %scan3A_292, %mul3A_303 : i32
          %add3A_305 = vector.broadcast %mul3A_304 : i32 to vector<16xi32>
          %add3A_306 = arith.addi %iota3A, %add3A_305 : vector<16xi32>
          tpu.vector_store_idx %arg7[%sub3A_298, %add3A_306], %broadcast_in_dim3A_8 masked %lt3A_302 : memref<40x1024xf32, #tpu.memory_space<vmem>>[vector<16xi32>, vector<16xi32>], vector<16xf32>, vector<16xi1>
          %scan3A_307 = arith.constant 4 : i32
          %scan3A_308 = arith.addi %scan3A_246, %scan3A_307 : i32
          %mul3A_309 = arith.constant 16 : i32
          %mul3A_310 = arith.muli %scan3A_308, %mul3A_309 : i32
          %get3A_311 = arith.index_cast %mul3A_310 : i32 to index
          %get3A_312 = tpu.vector_load %arg5[%get3A_311] {strides = array<i32>} : memref<1024xi32, #tpu.memory_space<vmem>>, vector<16xi32>,
          %sub3A_313 = vector.broadcast %mul3A_224 : i32 to vector<16xi32>
          %sub3A_314 = arith.subi %get3A_312, %sub3A_313 : vector<16xi32>
          %bitcast3A_315 = vector.bitcast %sub3A_314 : vector<16xi32> to vector<16xi32>
          %lt3A_316 = arith.constant 40 : i32
          %lt3A_317 = vector.broadcast %lt3A_316 : i32 to vector<16xi32>
          %lt3A_318 = arith.cmpi ult, %bitcast3A_315, %lt3A_317 : vector<16xi32>
          %mul3A_319 = arith.constant 16 : i32
          %mul3A_320 = arith.muli %scan3A_308, %mul3A_319 : i32
          %add3A_321 = vector.broadcast %mul3A_320 : i32 to vector<16xi32>
          %add3A_322 = arith.addi %iota3A, %add3A_321 : vector<16xi32>
          tpu.vector_store_idx %arg7[%sub3A_314, %add3A_322], %broadcast_in_dim3A_8 masked %lt3A_318 : memref<40x1024xf32, #tpu.memory_space<vmem>>[vector<16xi32>, vector<16xi32>], vector<16xf32>, vector<16xi1>
          %scan3A_323 = arith.constant 5 : i32
          %scan3A_324 = arith.addi %scan3A_246, %scan3A_323 : i32
          %mul3A_325 = arith.constant 16 : i32
          %mul3A_326 = arith.muli %scan3A_324, %mul3A_325 : i32
          %get3A_327 = arith.index_cast %mul3A_326 : i32 to index
          %get3A_328 = tpu.vector_load %arg5[%get3A_327] {strides = array<i32>} : memref<1024xi32, #tpu.memory_space<vmem>>, vector<16xi32>,
          %sub3A_329 = vector.broadcast %mul3A_224 : i32 to vector<16xi32>
          %sub3A_330 = arith.subi %get3A_328, %sub3A_329 : vector<16xi32>
          %bitcast3A_331 = vector.bitcast %sub3A_330 : vector<16xi32> to vector<16xi32>
          %lt3A_332 = arith.constant 40 : i32
          %lt3A_333 = vector.broadcast %lt3A_332 : i32 to vector<16xi32>
          %lt3A_334 = arith.cmpi ult, %bitcast3A_331, %lt3A_333 : vector<16xi32>
          %mul3A_335 = arith.constant 16 : i32
          %mul3A_336 = arith.muli %scan3A_324, %mul3A_335 : i32
          %add3A_337 = vector.broadcast %mul3A_336 : i32 to vector<16xi32>
          %add3A_338 = arith.addi %iota3A, %add3A_337 : vector<16xi32>
          tpu.vector_store_idx %arg7[%sub3A_330, %add3A_338], %broadcast_in_dim3A_8 masked %lt3A_334 : memref<40x1024xf32, #tpu.memory_space<vmem>>[vector<16xi32>, vector<16xi32>], vector<16xf32>, vector<16xi1>
          %scan3A_339 = arith.constant 6 : i32
          %scan3A_340 = arith.addi %scan3A_246, %scan3A_339 : i32
          %mul3A_341 = arith.constant 16 : i32
          %mul3A_342 = arith.muli %scan3A_340, %mul3A_341 : i32
          %get3A_343 = arith.index_cast %mul3A_342 : i32 to index
          %get3A_344 = tpu.vector_load %arg5[%get3A_343] {strides = array<i32>} : memref<1024xi32, #tpu.memory_space<vmem>>, vector<16xi32>,
          %sub3A_345 = vector.broadcast %mul3A_224 : i32 to vector<16xi32>
          %sub3A_346 = arith.subi %get3A_344, %sub3A_345 : vector<16xi32>
          %bitcast3A_347 = vector.bitcast %sub3A_346 : vector<16xi32> to vector<16xi32>
          %lt3A_348 = arith.constant 40 : i32
          %lt3A_349 = vector.broadcast %lt3A_348 : i32 to vector<16xi32>
          %lt3A_350 = arith.cmpi ult, %bitcast3A_347, %lt3A_349 : vector<16xi32>
          %mul3A_351 = arith.constant 16 : i32
          %mul3A_352 = arith.muli %scan3A_340, %mul3A_351 : i32
          %add3A_353 = vector.broadcast %mul3A_352 : i32 to vector<16xi32>
          %add3A_354 = arith.addi %iota3A, %add3A_353 : vector<16xi32>
          tpu.vector_store_idx %arg7[%sub3A_346, %add3A_354], %broadcast_in_dim3A_8 masked %lt3A_350 : memref<40x1024xf32, #tpu.memory_space<vmem>>[vector<16xi32>, vector<16xi32>], vector<16xf32>, vector<16xi1>
          %scan3A_355 = arith.constant 7 : i32
          %scan3A_356 = arith.addi %scan3A_246, %scan3A_355 : i32
          %mul3A_357 = arith.constant 16 : i32
          %mul3A_358 = arith.muli %scan3A_356, %mul3A_357 : i32
          %get3A_359 = arith.index_cast %mul3A_358 : i32 to index
          %get3A_360 = tpu.vector_load %arg5[%get3A_359] {strides = array<i32>} : memref<1024xi32, #tpu.memory_space<vmem>>, vector<16xi32>,
          %sub3A_361 = vector.broadcast %mul3A_224 : i32 to vector<16xi32>
          %sub3A_362 = arith.subi %get3A_360, %sub3A_361 : vector<16xi32>
          %bitcast3A_363 = vector.bitcast %sub3A_362 : vector<16xi32> to vector<16xi32>
          %lt3A_364 = arith.constant 40 : i32
          %lt3A_365 = vector.broadcast %lt3A_364 : i32 to vector<16xi32>
          %lt3A_366 = arith.cmpi ult, %bitcast3A_363, %lt3A_365 : vector<16xi32>
          %mul3A_367 = arith.constant 16 : i32
          %mul3A_368 = arith.muli %scan3A_356, %mul3A_367 : i32
          %add3A_369 = vector.broadcast %mul3A_368 : i32 to vector<16xi32>
          %add3A_370 = arith.addi %iota3A, %add3A_369 : vector<16xi32>
          tpu.vector_store_idx %arg7[%sub3A_362, %add3A_370], %broadcast_in_dim3A_8 masked %lt3A_366 : memref<40x1024xf32, #tpu.memory_space<vmem>>[vector<16xi32>, vector<16xi32>], vector<16xf32>, vector<16xi1>
        }
        %scan3A_245 = arith.constant 64 : i32
      } else {
      }
      %lt3A_230 = arith.cmpi slt, %add3A_162, %add3A_7 : i32
      %convert_element_type3A_231 = arith.extui %lt3A_230 : i1 to i32
      %cond3A_232 = arith.constant 0 : i32
      %cond3A_233 = arith.cmpi ne, %convert_element_type3A_231, %cond3A_232 : i32
      scf.if %cond3A_233 {
        %le3A = arith.constant 1 : i32
        %le3A_234 = arith.cmpi sle, %add3A_162, %le3A : i32
        %ne3A_235 = arith.cmpi ne, %select_n3A_187, %select_n3A_219 : i32
        %or3A = arith.ori %le3A_234, %ne3A_235 : i1
        %convert_element_type3A_236 = arith.extui %or3A : i1 to i32
        %cond3A_237 = arith.constant 0 : i32
        %cond3A_238 = arith.cmpi ne, %convert_element_type3A_236, %cond3A_237 : i32
        scf.if %cond3A_238 {
          "tpu.region"() ({
            %run_scoped3A = tpu.sem_alloc : memref<!tpu.dma_semaphore, #tpu.memory_space<semaphore_mem>>
            %dma_start3A_250 = arith.constant 0 : i32
            %dma_start3A_251 = tpu.memref_slice %arg2[%select_n3A_187, %dma_start3A_250] : memref<50x1024xi32, #tpu.memory_space<hbm>> -> memref<1x1024xi32, #tpu.memory_space<hbm>>
            %dma_start3A_252 = tpu.memref_squeeze %dma_start3A_251 : memref<1x1024xi32, #tpu.memory_space<hbm>> -> memref<1024xi32, #tpu.memory_space<hbm>>
            %dma_start3A_253 = arith.constant 0 : i32
            %dma_start3A_254 = tpu.memref_slice %arg2[%select_n3A_187, %dma_start3A_253] : memref<50x1024xi32, #tpu.memory_space<hbm>> -> memref<1x1024xi32, #tpu.memory_space<hbm>>
            %dma_start3A_255 = tpu.memref_squeeze %dma_start3A_254 : memref<1x1024xi32, #tpu.memory_space<hbm>> -> memref<1024xi32, #tpu.memory_space<hbm>>
            tpu.enqueue_dma source(%dma_start3A_255 : memref<1024xi32, #tpu.memory_space<hbm>>) target(%arg5 : memref<1024xi32, #tpu.memory_space<vmem>>) target_semaphore(%run_scoped3A : memref<!tpu.dma_semaphore, #tpu.memory_space<semaphore_mem>>)
            %dma_wait3A_256 = arith.constant 0 : i32
            %dma_wait3A_257 = tpu.memref_slice %arg2[%select_n3A_187, %dma_wait3A_256] : memref<50x1024xi32, #tpu.memory_space<hbm>> -> memref<1x1024xi32, #tpu.memory_space<hbm>>
            %dma_wait3A_258 = tpu.memref_squeeze %dma_wait3A_257 : memref<1x1024xi32, #tpu.memory_space<hbm>> -> memref<1024xi32, #tpu.memory_space<hbm>>
            %dma_wait3A_259 = arith.constant 0 : i32
            %dma_wait3A_260 = tpu.memref_slice %arg2[%select_n3A_187, %dma_wait3A_259] : memref<50x1024xi32, #tpu.memory_space<hbm>> -> memref<1x1024xi32, #tpu.memory_space<hbm>>
            %dma_wait3A_261 = tpu.memref_squeeze %dma_wait3A_260 : memref<1x1024xi32, #tpu.memory_space<hbm>> -> memref<1024xi32, #tpu.memory_space<hbm>>
            tpu.wait_dma2 semaphore(%run_scoped3A : memref<!tpu.dma_semaphore, #tpu.memory_space<semaphore_mem>>) src(%dma_wait3A_261 : memref<1024xi32, #tpu.memory_space<hbm>>) dst(%arg5 : memref<1024xi32, #tpu.memory_space<vmem>>)
            tpu.yield
          }) : () -> ()
        } else {
        }
        %scan3A_239 = arith.constant 0 : i32
        %scan3A_240 = arith.constant 0 : i32
        %scan3A_241 = arith.constant 64 : i32
        %scan3A_242 = arith.addi %scan3A_240, %scan3A_241 : i32
        %scan3A_243 = arith.constant 8 : i32
        scf.for %scan3A_250 = %scan3A_240 to %scan3A_242 step %scan3A_243  : i32 {
          %mul3A_251 = arith.constant 16 : i32
          %mul3A_252 = arith.muli %scan3A_250, %mul3A_251 : i32
          %get3A = arith.index_cast %mul3A_252 : i32 to index
          %get3A_253 = tpu.vector_load %arg5[%get3A] {strides = array<i32>} : memref<1024xi32, #tpu.memory_space<vmem>>, vector<16xi32>,
          %sub3A_254 = vector.broadcast %mul3A_192 : i32 to vector<16xi32>
          %sub3A_255 = arith.subi %get3A_253, %sub3A_254 : vector<16xi32>
          %bitcast3A = vector.bitcast %sub3A_255 : vector<16xi32> to vector<16xi32>
          %lt3A_256 = arith.constant 40 : i32
          %lt3A_257 = vector.broadcast %lt3A_256 : i32 to vector<16xi32>
          %lt3A_258 = arith.cmpi ult, %bitcast3A, %lt3A_257 : vector<16xi32>
          %mul3A_259 = arith.constant 16 : i32
          %mul3A_260 = arith.muli %scan3A_250, %mul3A_259 : i32
          %add3A_261 = vector.broadcast %mul3A_260 : i32 to vector<16xi32>
          %add3A_262 = arith.addi %iota3A, %add3A_261 : vector<16xi32>
          tpu.vector_store_idx %arg7[%sub3A_255, %add3A_262], %broadcast_in_dim3A_10 masked %lt3A_258 : memref<40x1024xf32, #tpu.memory_space<vmem>>[vector<16xi32>, vector<16xi32>], vector<16xf32>, vector<16xi1>
          %scan3A_263 = arith.constant 1 : i32
          %scan3A_264 = arith.addi %scan3A_250, %scan3A_263 : i32
          %mul3A_265 = arith.constant 16 : i32
          %mul3A_266 = arith.muli %scan3A_264, %mul3A_265 : i32
          %get3A_267 = arith.index_cast %mul3A_266 : i32 to index
          %get3A_268 = tpu.vector_load %arg5[%get3A_267] {strides = array<i32>} : memref<1024xi32, #tpu.memory_space<vmem>>, vector<16xi32>,
          %sub3A_269 = vector.broadcast %mul3A_192 : i32 to vector<16xi32>
          %sub3A_270 = arith.subi %get3A_268, %sub3A_269 : vector<16xi32>
          %bitcast3A_271 = vector.bitcast %sub3A_270 : vector<16xi32> to vector<16xi32>
          %lt3A_272 = arith.constant 40 : i32
          %lt3A_273 = vector.broadcast %lt3A_272 : i32 to vector<16xi32>
          %lt3A_274 = arith.cmpi ult, %bitcast3A_271, %lt3A_273 : vector<16xi32>
          %mul3A_275 = arith.constant 16 : i32
          %mul3A_276 = arith.muli %scan3A_264, %mul3A_275 : i32
          %add3A_277 = vector.broadcast %mul3A_276 : i32 to vector<16xi32>
          %add3A_278 = arith.addi %iota3A, %add3A_277 : vector<16xi32>
          tpu.vector_store_idx %arg7[%sub3A_270, %add3A_278], %broadcast_in_dim3A_10 masked %lt3A_274 : memref<40x1024xf32, #tpu.memory_space<vmem>>[vector<16xi32>, vector<16xi32>], vector<16xf32>, vector<16xi1>
          %scan3A_279 = arith.constant 2 : i32
          %scan3A_280 = arith.addi %scan3A_250, %scan3A_279 : i32
          %mul3A_281 = arith.constant 16 : i32
          %mul3A_282 = arith.muli %scan3A_280, %mul3A_281 : i32
          %get3A_283 = arith.index_cast %mul3A_282 : i32 to index
          %get3A_284 = tpu.vector_load %arg5[%get3A_283] {strides = array<i32>} : memref<1024xi32, #tpu.memory_space<vmem>>, vector<16xi32>,
          %sub3A_285 = vector.broadcast %mul3A_192 : i32 to vector<16xi32>
          %sub3A_286 = arith.subi %get3A_284, %sub3A_285 : vector<16xi32>
          %bitcast3A_287 = vector.bitcast %sub3A_286 : vector<16xi32> to vector<16xi32>
          %lt3A_288 = arith.constant 40 : i32
          %lt3A_289 = vector.broadcast %lt3A_288 : i32 to vector<16xi32>
          %lt3A_290 = arith.cmpi ult, %bitcast3A_287, %lt3A_289 : vector<16xi32>
          %mul3A_291 = arith.constant 16 : i32
          %mul3A_292 = arith.muli %scan3A_280, %mul3A_291 : i32
          %add3A_293 = vector.broadcast %mul3A_292 : i32 to vector<16xi32>
          %add3A_294 = arith.addi %iota3A, %add3A_293 : vector<16xi32>
          tpu.vector_store_idx %arg7[%sub3A_286, %add3A_294], %broadcast_in_dim3A_10 masked %lt3A_290 : memref<40x1024xf32, #tpu.memory_space<vmem>>[vector<16xi32>, vector<16xi32>], vector<16xf32>, vector<16xi1>
          %scan3A_295 = arith.constant 3 : i32
          %scan3A_296 = arith.addi %scan3A_250, %scan3A_295 : i32
          %mul3A_297 = arith.constant 16 : i32
          %mul3A_298 = arith.muli %scan3A_296, %mul3A_297 : i32
          %get3A_299 = arith.index_cast %mul3A_298 : i32 to index
          %get3A_300 = tpu.vector_load %arg5[%get3A_299] {strides = array<i32>} : memref<1024xi32, #tpu.memory_space<vmem>>, vector<16xi32>,
          %sub3A_301 = vector.broadcast %mul3A_192 : i32 to vector<16xi32>
          %sub3A_302 = arith.subi %get3A_300, %sub3A_301 : vector<16xi32>
          %bitcast3A_303 = vector.bitcast %sub3A_302 : vector<16xi32> to vector<16xi32>
          %lt3A_304 = arith.constant 40 : i32
          %lt3A_305 = vector.broadcast %lt3A_304 : i32 to vector<16xi32>
          %lt3A_306 = arith.cmpi ult, %bitcast3A_303, %lt3A_305 : vector<16xi32>
          %mul3A_307 = arith.constant 16 : i32
          %mul3A_308 = arith.muli %scan3A_296, %mul3A_307 : i32
          %add3A_309 = vector.broadcast %mul3A_308 : i32 to vector<16xi32>
          %add3A_310 = arith.addi %iota3A, %add3A_309 : vector<16xi32>
          tpu.vector_store_idx %arg7[%sub3A_302, %add3A_310], %broadcast_in_dim3A_10 masked %lt3A_306 : memref<40x1024xf32, #tpu.memory_space<vmem>>[vector<16xi32>, vector<16xi32>], vector<16xf32>, vector<16xi1>
          %scan3A_311 = arith.constant 4 : i32
          %scan3A_312 = arith.addi %scan3A_250, %scan3A_311 : i32
          %mul3A_313 = arith.constant 16 : i32
          %mul3A_314 = arith.muli %scan3A_312, %mul3A_313 : i32
          %get3A_315 = arith.index_cast %mul3A_314 : i32 to index
          %get3A_316 = tpu.vector_load %arg5[%get3A_315] {strides = array<i32>} : memref<1024xi32, #tpu.memory_space<vmem>>, vector<16xi32>,
          %sub3A_317 = vector.broadcast %mul3A_192 : i32 to vector<16xi32>
          %sub3A_318 = arith.subi %get3A_316, %sub3A_317 : vector<16xi32>
          %bitcast3A_319 = vector.bitcast %sub3A_318 : vector<16xi32> to vector<16xi32>
          %lt3A_320 = arith.constant 40 : i32
          %lt3A_321 = vector.broadcast %lt3A_320 : i32 to vector<16xi32>
          %lt3A_322 = arith.cmpi ult, %bitcast3A_319, %lt3A_321 : vector<16xi32>
          %mul3A_323 = arith.constant 16 : i32
          %mul3A_324 = arith.muli %scan3A_312, %mul3A_323 : i32
          %add3A_325 = vector.broadcast %mul3A_324 : i32 to vector<16xi32>
          %add3A_326 = arith.addi %iota3A, %add3A_325 : vector<16xi32>
          tpu.vector_store_idx %arg7[%sub3A_318, %add3A_326], %broadcast_in_dim3A_10 masked %lt3A_322 : memref<40x1024xf32, #tpu.memory_space<vmem>>[vector<16xi32>, vector<16xi32>], vector<16xf32>, vector<16xi1>
          %scan3A_327 = arith.constant 5 : i32
          %scan3A_328 = arith.addi %scan3A_250, %scan3A_327 : i32
          %mul3A_329 = arith.constant 16 : i32
          %mul3A_330 = arith.muli %scan3A_328, %mul3A_329 : i32
          %get3A_331 = arith.index_cast %mul3A_330 : i32 to index
          %get3A_332 = tpu.vector_load %arg5[%get3A_331] {strides = array<i32>} : memref<1024xi32, #tpu.memory_space<vmem>>, vector<16xi32>,
          %sub3A_333 = vector.broadcast %mul3A_192 : i32 to vector<16xi32>
          %sub3A_334 = arith.subi %get3A_332, %sub3A_333 : vector<16xi32>
          %bitcast3A_335 = vector.bitcast %sub3A_334 : vector<16xi32> to vector<16xi32>
          %lt3A_336 = arith.constant 40 : i32
          %lt3A_337 = vector.broadcast %lt3A_336 : i32 to vector<16xi32>
          %lt3A_338 = arith.cmpi ult, %bitcast3A_335, %lt3A_337 : vector<16xi32>
          %mul3A_339 = arith.constant 16 : i32
          %mul3A_340 = arith.muli %scan3A_328, %mul3A_339 : i32
          %add3A_341 = vector.broadcast %mul3A_340 : i32 to vector<16xi32>
          %add3A_342 = arith.addi %iota3A, %add3A_341 : vector<16xi32>
          tpu.vector_store_idx %arg7[%sub3A_334, %add3A_342], %broadcast_in_dim3A_10 masked %lt3A_338 : memref<40x1024xf32, #tpu.memory_space<vmem>>[vector<16xi32>, vector<16xi32>], vector<16xf32>, vector<16xi1>
          %scan3A_343 = arith.constant 6 : i32
          %scan3A_344 = arith.addi %scan3A_250, %scan3A_343 : i32
          %mul3A_345 = arith.constant 16 : i32
          %mul3A_346 = arith.muli %scan3A_344, %mul3A_345 : i32
          %get3A_347 = arith.index_cast %mul3A_346 : i32 to index
          %get3A_348 = tpu.vector_load %arg5[%get3A_347] {strides = array<i32>} : memref<1024xi32, #tpu.memory_space<vmem>>, vector<16xi32>,
          %sub3A_349 = vector.broadcast %mul3A_192 : i32 to vector<16xi32>
          %sub3A_350 = arith.subi %get3A_348, %sub3A_349 : vector<16xi32>
          %bitcast3A_351 = vector.bitcast %sub3A_350 : vector<16xi32> to vector<16xi32>
          %lt3A_352 = arith.constant 40 : i32
          %lt3A_353 = vector.broadcast %lt3A_352 : i32 to vector<16xi32>
          %lt3A_354 = arith.cmpi ult, %bitcast3A_351, %lt3A_353 : vector<16xi32>
          %mul3A_355 = arith.constant 16 : i32
          %mul3A_356 = arith.muli %scan3A_344, %mul3A_355 : i32
          %add3A_357 = vector.broadcast %mul3A_356 : i32 to vector<16xi32>
          %add3A_358 = arith.addi %iota3A, %add3A_357 : vector<16xi32>
          tpu.vector_store_idx %arg7[%sub3A_350, %add3A_358], %broadcast_in_dim3A_10 masked %lt3A_354 : memref<40x1024xf32, #tpu.memory_space<vmem>>[vector<16xi32>, vector<16xi32>], vector<16xf32>, vector<16xi1>
          %scan3A_359 = arith.constant 7 : i32
          %scan3A_360 = arith.addi %scan3A_250, %scan3A_359 : i32
          %mul3A_361 = arith.constant 16 : i32
          %mul3A_362 = arith.muli %scan3A_360, %mul3A_361 : i32
          %get3A_363 = arith.index_cast %mul3A_362 : i32 to index
          %get3A_364 = tpu.vector_load %arg5[%get3A_363] {strides = array<i32>} : memref<1024xi32, #tpu.memory_space<vmem>>, vector<16xi32>,
          %sub3A_365 = vector.broadcast %mul3A_192 : i32 to vector<16xi32>
          %sub3A_366 = arith.subi %get3A_364, %sub3A_365 : vector<16xi32>
          %bitcast3A_367 = vector.bitcast %sub3A_366 : vector<16xi32> to vector<16xi32>
          %lt3A_368 = arith.constant 40 : i32
          %lt3A_369 = vector.broadcast %lt3A_368 : i32 to vector<16xi32>
          %lt3A_370 = arith.cmpi ult, %bitcast3A_367, %lt3A_369 : vector<16xi32>
          %mul3A_371 = arith.constant 16 : i32
          %mul3A_372 = arith.muli %scan3A_360, %mul3A_371 : i32
          %add3A_373 = vector.broadcast %mul3A_372 : i32 to vector<16xi32>
          %add3A_374 = arith.addi %iota3A, %add3A_373 : vector<16xi32>
          tpu.vector_store_idx %arg7[%sub3A_366, %add3A_374], %broadcast_in_dim3A_10 masked %lt3A_370 : memref<40x1024xf32, #tpu.memory_space<vmem>>[vector<16xi32>, vector<16xi32>], vector<16xf32>, vector<16xi1>
        }
        %scan3A_244 = arith.constant 64 : i32
        %dma_start3A = arith.constant 0 : i32
        %dma_start3A_245 = tpu.memref_slice %arg3[%select_n3A_187, %mul3A_192, %dma_start3A] : memref<50x1000x1024xf32, #tpu.memory_space<hbm>> -> memref<1x40x1024xf32, #tpu.memory_space<hbm>>
        %dma_start3A_246 = tpu.memref_squeeze %dma_start3A_245 : memref<1x40x1024xf32, #tpu.memory_space<hbm>> -> memref<40x1024xf32, #tpu.memory_space<hbm>>
        %dma_start3A_247 = arith.constant 0 : i32
        %dma_start3A_248 = tpu.memref_slice %arg3[%select_n3A_187, %mul3A_192, %dma_start3A_247] : memref<50x1000x1024xf32, #tpu.memory_space<hbm>> -> memref<1x40x1024xf32, #tpu.memory_space<hbm>>
        %dma_start3A_249 = tpu.memref_squeeze %dma_start3A_248 : memref<1x40x1024xf32, #tpu.memory_space<hbm>> -> memref<40x1024xf32, #tpu.memory_space<hbm>>
        tpu.enqueue_dma source(%arg7 : memref<40x1024xf32, #tpu.memory_space<vmem>>) target(%dma_start3A_249 : memref<40x1024xf32, #tpu.memory_space<hbm>>) target_semaphore(%arg9 : memref<!tpu.dma_semaphore, #tpu.memory_space<semaphore_mem>>)
      } else {
      }
    }
    %scan3A_21 = arith.constant 20 : i32
    %add3A_22 = arith.constant 38 : i32
    %add3A_23 = arith.addi %add3A_4, %add3A_22 : i32
    %jit3A = arith.constant 25 : i32
    %div3A = arith.divsi %add3A_23, %jit3A : i32
    %sign3A = arith.constant 0 : i32
    %sign3A_24 = arith.cmpi sgt, %add3A_23, %sign3A : i32
    %sign3A_25 = arith.extui %sign3A_24 : i1 to i32
    %sign3A_26 = arith.constant 0 : i32
    %sign3A_27 = arith.cmpi slt, %add3A_23, %sign3A_26 : i32
    %sign3A_28 = arith.extui %sign3A_27 : i1 to i32
    %sign3A_29 = arith.subi %sign3A_25, %sign3A_28 : i32
    %sign3A_30 = arith.constant 0 : i32
    %sign3A_31 = arith.cmpi sgt, %jit3A, %sign3A_30 : i32
    %sign3A_32 = arith.extui %sign3A_31 : i1 to i32
    %sign3A_33 = arith.constant 0 : i32
    %sign3A_34 = arith.cmpi slt, %jit3A, %sign3A_33 : i32
    %sign3A_35 = arith.extui %sign3A_34 : i1 to i32
    %sign3A_36 = arith.subi %sign3A_32, %sign3A_35 : i32
    %ne3A = arith.cmpi ne, %sign3A_29, %sign3A_36 : i32
    %rem3A = arith.remsi %add3A_23, %jit3A : i32
    %ne3A_37 = arith.constant 0 : i32
    %ne3A_38 = arith.cmpi ne, %rem3A, %ne3A_37 : i32
    %and3A = arith.andi %ne3A, %ne3A_38 : i1
    %sub3A = arith.constant 1 : i32
    %sub3A_39 = arith.subi %div3A, %sub3A : i32
    %select_n3A = arith.select %and3A, %sub3A_39, %div3A : i32
    %mul3A_40 = arith.constant 25 : i32
    %mul3A_41 = arith.muli %select_n3A, %mul3A_40 : i32
    %sub3A_42 = arith.subi %add3A_23, %mul3A_41 : i32
    %mul3A_43 = arith.constant 40 : i32
    %mul3A_44 = arith.muli %sub3A_42, %mul3A_43 : i32
    %dma_wait3A = arith.constant 0 : i32
    %dma_wait3A_45 = tpu.memref_slice %arg3[%select_n3A, %mul3A_44, %dma_wait3A] : memref<50x1000x1024xf32, #tpu.memory_space<hbm>> -> memref<1x40x1024xf32, #tpu.memory_space<hbm>>
    %dma_wait3A_46 = tpu.memref_squeeze %dma_wait3A_45 : memref<1x40x1024xf32, #tpu.memory_space<hbm>> -> memref<40x1024xf32, #tpu.memory_space<hbm>>
    %dma_wait3A_47 = arith.constant 0 : i32
    %dma_wait3A_48 = tpu.memref_slice %arg3[%select_n3A, %mul3A_44, %dma_wait3A_47] : memref<50x1000x1024xf32, #tpu.memory_space<hbm>> -> memref<1x40x1024xf32, #tpu.memory_space<hbm>>
    %dma_wait3A_49 = tpu.memref_squeeze %dma_wait3A_48 : memref<1x40x1024xf32, #tpu.memory_space<hbm>> -> memref<40x1024xf32, #tpu.memory_space<hbm>>
    tpu.wait_dma2 semaphore(%arg8 : memref<!tpu.dma_semaphore, #tpu.memory_space<semaphore_mem>>) src(%arg6 : memref<40x1024xf32, #tpu.memory_space<vmem>>) dst(%dma_wait3A_49 : memref<40x1024xf32, #tpu.memory_space<hbm>>)
    %add3A_50 = arith.constant 39 : i32
    %add3A_51 = arith.addi %add3A_4, %add3A_50 : i32
    %jit3A_52 = arith.constant 25 : i32
    %div3A_53 = arith.divsi %add3A_51, %jit3A_52 : i32
    %sign3A_54 = arith.constant 0 : i32
    %sign3A_55 = arith.cmpi sgt, %add3A_51, %sign3A_54 : i32
    %sign3A_56 = arith.extui %sign3A_55 : i1 to i32
    %sign3A_57 = arith.constant 0 : i32
    %sign3A_58 = arith.cmpi slt, %add3A_51, %sign3A_57 : i32
    %sign3A_59 = arith.extui %sign3A_58 : i1 to i32
    %sign3A_60 = arith.subi %sign3A_56, %sign3A_59 : i32
    %sign3A_61 = arith.constant 0 : i32
    %sign3A_62 = arith.cmpi sgt, %jit3A_52, %sign3A_61 : i32
    %sign3A_63 = arith.extui %sign3A_62 : i1 to i32
    %sign3A_64 = arith.constant 0 : i32
    %sign3A_65 = arith.cmpi slt, %jit3A_52, %sign3A_64 : i32
    %sign3A_66 = arith.extui %sign3A_65 : i1 to i32
    %sign3A_67 = arith.subi %sign3A_63, %sign3A_66 : i32
    %ne3A_68 = arith.cmpi ne, %sign3A_60, %sign3A_67 : i32
    %rem3A_69 = arith.remsi %add3A_51, %jit3A_52 : i32
    %ne3A_70 = arith.constant 0 : i32
    %ne3A_71 = arith.cmpi ne, %rem3A_69, %ne3A_70 : i32
    %and3A_72 = arith.andi %ne3A_68, %ne3A_71 : i1
    %sub3A_73 = arith.constant 1 : i32
    %sub3A_74 = arith.subi %div3A_53, %sub3A_73 : i32
    %select_n3A_75 = arith.select %and3A_72, %sub3A_74, %div3A_53 : i32
    %mul3A_76 = arith.constant 25 : i32
    %mul3A_77 = arith.muli %select_n3A_75, %mul3A_76 : i32
    %sub3A_78 = arith.subi %add3A_51, %mul3A_77 : i32
    %mul3A_79 = arith.constant 40 : i32
    %mul3A_80 = arith.muli %sub3A_78, %mul3A_79 : i32
    %gt3A = arith.constant 39 : i32
    %gt3A_81 = arith.cmpi sgt, %add3A_7, %gt3A : i32
    %convert_element_type3A_82 = arith.extui %gt3A_81 : i1 to i32
    %cond3A = arith.constant 0 : i32
    %cond3A_83 = arith.cmpi ne, %convert_element_type3A_82, %cond3A : i32
    scf.if %cond3A_83 {
      %dma_wait3A_84 = arith.constant 0 : i32
      %dma_wait3A_85 = tpu.memref_slice %arg3[%select_n3A_75, %mul3A_80, %dma_wait3A_84] : memref<50x1000x1024xf32, #tpu.memory_space<hbm>> -> memref<1x40x1024xf32, #tpu.memory_space<hbm>>
      %dma_wait3A_86 = tpu.memref_squeeze %dma_wait3A_85 : memref<1x40x1024xf32, #tpu.memory_space<hbm>> -> memref<40x1024xf32, #tpu.memory_space<hbm>>
      %dma_wait3A_87 = arith.constant 0 : i32
      %dma_wait3A_88 = tpu.memref_slice %arg3[%select_n3A_75, %mul3A_80, %dma_wait3A_87] : memref<50x1000x1024xf32, #tpu.memory_space<hbm>> -> memref<1x40x1024xf32, #tpu.memory_space<hbm>>
      %dma_wait3A_89 = tpu.memref_squeeze %dma_wait3A_88 : memref<1x40x1024xf32, #tpu.memory_space<hbm>> -> memref<40x1024xf32, #tpu.memory_space<hbm>>
      tpu.wait_dma2 semaphore(%arg9 : memref<!tpu.dma_semaphore, #tpu.memory_space<semaphore_mem>>) src(%arg7 : memref<40x1024xf32, #tpu.memory_space<vmem>>) dst(%dma_wait3A_89 : memref<40x1024xf32, #tpu.memory_space<hbm>>)
    } else {
    }
    return
  }
}

</mosaic_0001>

<sc_bundles>
// kernel: kernel.3.cloned.1.call-start
scs
__scs_entry_jumppad:
0x0: {  	(pc) =	sbr.rel $0x88, $3  }
0x1: {  	(tag) =	ssettag $0x0;
	lr =	simm.s32 $0x1  }
0x2: {  	[smem:$0x3FA0] =	sst lr;
	_ =	strace $0xD0000000  }
0x3: {  	_ = 	snop  }
0x4: {  	_ = 	snop  }
0x5: {  	_ = 	snop  }
0x6: {  	_ = 	snop  }
0x7: {  	_ = 	snop  }
__scs_overlays_trampoline_lowered:
0x8: {  	[smem:$0x3FAF] =	sst s0  }
0x9: {  	[smem:$0x3FB0] =	sst s1  }
0xa: {  	[smem:$0x3FB1] =	sst s2  }
0xb: {  	[smem:$0x3FB2] =	sst s3  }
0xc: {  	[smem:$0x3FB3] =	sst s4  }
0xd: {  	[smem:$0x3FB4] =	sst s5  }
0xe: {  	[smem:$0x3FB5] =	sst s6  }
0xf: {  	[smem:$0x3FB6] =	sst s7  }
0x10: {  	[smem:$0x3FB7] =	sst s8  }
0x11: {  	[smem:$0x3FB8] =	sst s9;
	s0 =	simm.s32 @!p0 $0x0  }
0x12: {  	s1 =	sld [smem:$0x3F9E];
	s0 =	simm.s32 @p0 $0x1  }
0x13: {  	[smem:$0x3FB9] =	sst s0;
	s0 =	simm.s32 @!p1 $0x0  }
0x14: {  	s2 =	sld [smem:$0x3F9D];
	s0 =	simm.s32 @p1 $0x1  }
0x15: {  	[smem:$0x3FBA] =	sst s0;
	s0 =	simm.s32 @!p2 $0x0  }
0x16: {  	s3 =	sld [smem:$0x3FDB];
	s0 =	simm.s32 @p2 $0x1  }
0x17: {  	s4 =	simm.s32 $0x1BF5;
	[smem:$0x3FBC] =	sst s0  }
0x18: {  	s0 =	sld [smem:$0x3F9F];
	_ =	swait.ge [sflag:s4], $0x0  }
0x19: {  	s7 =	sld [smem:$0x3FA0]  }
0x1a: {  	s8 =	sadd.s32 $0xFFFFE003, lr  }
0x1b: {  	s9 =	sadd.s32 $0xFFFFFEF7, lr;
	s5 =	simm.s32 $0xFFFFFFFF;
	p2 =	slt.u32 s8, $0xFFFFF086  }
0x1c: {  	p1 =	slt.u32 s9, $0xF7A;
	s5 =	simm.s32 @!p2 $0x0  }
0x1d: {  	s5 =	simm.s32 @p1 $0x1;
	p0 =	seq.s32 s7, s2  }
0x1e: {  	s7 =	smul.u32 @!p0 $0xF7A, s2;
	p2 =	seq.s32 @!p0 s5, $0x0  }
0x1f: {  	s9 =	smul.u32 $0xF7A, s1;
	s8 =	simm.s32 @!p0 $0x1BF5;
	p2 =	por !p2, p0  }
0x20: {  	[sflag:s8] =	ssyncset.s32 @!p0 $0xFFFFF086;
	s6 =	sadd.s32 @!p0 s3, s7;
	s7 =	simm.s32 @!p0 $0x108  }
0x21: {  	s3 =	sadd.s32 s3, s9;
	s6 =	sadd.s32 @!p0 $0x88, s6;
	s7 =	simm.s32 @p2 $0x1082  }
0x22: {  	[simem:s7], [sflag:s8] =	dma.local @!p0 [hbm:s6], $0xF7A  }
0x23: {  	s9 =	sor.u32 $0xD0000000, s2;
	s6 =	simm.s32 $0x108;
	_ =	swait.ge @!p0 [sflag:s8], $0x0  }
0x24: {  	s3 =	sadd.s32 $0x88, s3;
	s6 =	simm.s32 @!p1 $0x1082;
	[sflag:s4] =	ssyncset.s32 $0xFFFFF086  }
0x25: {  	[simem:s6], [sflag:s4] =	dma.local [hbm:s3], $0xF7A  }
0x26: {  	[smem:$0x3FA0] =	sst s1;
	(tag) =	ssettag s2;
	_ =	strace s9  }
0x27: {  	s1 =	sld [smem:$0x3FB0]  }
0x28: {  	s2 =	sld [smem:$0x3FB1]  }
0x29: {  	s4 =	sld [smem:$0x3FB3]  }
0x2a: {  	p0 =	seq.s32 s5, $0x0;
	s5 =	sld [smem:$0x3FB4]  }
0x2b: {  	s6 =	sld [smem:$0x3FB5]  }
0x2c: {  	s7 =	sld [smem:$0x3FB6]  }
0x2d: {  	s3 =	simm.s32 $0x108;
	s8 =	sld [smem:$0x3FB7]  }
0x2e: {  	s3 =	simm.s32 @!p0 $0x1082;
	s9 =	sld [smem:$0x3FB8]  }
0x2f: {  	lr =	sadd.s32 s0, s3;
	s0 =	sld [smem:$0x3FAF]  }
0x30: {  	s3 =	sld [smem:$0x3FB2]  }
0x31: {  	[smem:$0x3FBB] =	sst s10  }
0x32: {  	s10 =	sld [smem:$0x3FB9];
	_ =	sdelay $0x3  }
0x33: {  	p0 =	seq.s32 s10, $0x1;
	s10 =	sld [smem:$0x3FBB];
	_ =	sdelay $0x3  }
0x34: {  	[smem:$0x3FBB] =	sst s10  }
0x35: {  	s10 =	sld [smem:$0x3FBA];
	_ =	sdelay $0x3  }
0x36: {  	p1 =	seq.s32 s10, $0x1;
	s10 =	sld [smem:$0x3FBB];
	_ =	sdelay $0x3  }
0x37: {  	[smem:$0x3FBB] =	sst s10  }
0x38: {  	s10 =	sld [smem:$0x3FBC]  }
0x39: {  	_ = 	snop;
	(pc) =	sbr.ind lr, $3  }
0x3a: {  	_ = 	snop  }
0x3b: {  	_ = 	snop  }
0x3c: {  	p2 =	seq.s32 s10, $0x1;
	s10 =	sld [smem:$0x3FBB]  }
0x3d: {  	_ =	shalt  }
0x3e: {  	_ =	shalt  }
0x3f: {  	_ =	shalt  }
0x40: {  	_ =	shalt  }
0x41: {  	_ =	shalt  }
0x42: {  	_ =	shalt  }
0x43: {  	_ =	shalt  }
0x44: {  	_ =	shalt  }
0x45: {  	_ =	shalt  }
0x46: {  	_ =	shalt  }
0x47: {  	_ =	shalt  }
0x48: {  	_ =	shalt  }
0x49: {  	_ =	shalt  }
0x4a: {  	_ =	shalt  }
0x4b: {  	_ =	shalt  }
0x4c: {  	_ =	shalt  }
0x4d: {  	_ =	shalt  }
0x4e: {  	_ =	shalt  }
0x4f: {  	_ =	shalt  }
0x50: {  	_ =	shalt  }
0x51: {  	_ =	shalt  }
0x52: {  	_ =	shalt  }
0x53: {  	_ =	shalt  }
0x54: {  	_ =	shalt  }
0x55: {  	_ =	shalt  }
0x56: {  	_ =	shalt  }
0x57: {  	_ =	shalt  }
0x58: {  	_ =	shalt  }
0x59: {  	_ =	shalt  }
0x5a: {  	_ =	shalt  }
0x5b: {  	_ =	shalt  }
0x5c: {  	_ =	shalt  }
0x5d: {  	_ =	shalt  }
0x5e: {  	_ =	shalt  }
0x5f: {  	_ =	shalt  }
0x60: {  	_ =	shalt  }
0x61: {  	_ =	shalt  }
0x62: {  	_ =	shalt  }
0x63: {  	_ =	shalt  }
0x64: {  	_ =	shalt  }
0x65: {  	_ =	shalt  }
0x66: {  	_ =	shalt  }
0x67: {  	_ =	shalt  }
0x68: {  	_ =	shalt  }
0x69: {  	_ =	shalt  }
0x6a: {  	_ =	shalt  }
0x6b: {  	_ =	shalt  }
0x6c: {  	_ =	shalt  }
0x6d: {  	_ =	shalt  }
0x6e: {  	_ =	shalt  }
0x6f: {  	_ =	shalt  }
0x70: {  	_ =	shalt  }
0x71: {  	_ =	shalt  }
0x72: {  	_ =	shalt  }
0x73: {  	_ =	shalt  }
0x74: {  	_ =	shalt  }
0x75: {  	_ =	shalt  }
0x76: {  	_ =	shalt  }
0x77: {  	_ =	shalt  }
0x78: {  	_ =	shalt  }
0x79: {  	_ =	shalt  }
0x7a: {  	_ =	shalt  }
0x7b: {  	_ =	shalt  }
0x7c: {  	_ =	shalt  }
0x7d: {  	_ =	shalt  }
0x7e: {  	_ =	shalt  }
0x7f: {  	_ =	shalt  }
0x80: {  	_ =	shalt  }
0x81: {  	_ =	shalt  }
0x82: {  	_ =	shalt  }
0x83: {  	_ =	shalt  }
0x84: {  	_ =	shalt  }
0x85: {  	_ =	shalt  }
0x86: {  	_ =	shalt  }
0x87: {  	_ =	shalt  }
.Lfunc_end0:
.L_simem_size_0:
called_computation_lowered:
.L_overlay_start_0:
0x88: {  	s2 =	sld [smem:$0x3FD9]  }
0x89: {  	s3 =	sld [smem:$0x3FFE];
	_ =	sdelay $0x1  }
0x8a: {  	s1 =	srdreg.scid  }
0x8b: {  	s0 =	sand.u32 $0x1, s1  }
0x8c: {  	s15 =	sshll.u32 s0, $0xA;
	s2 =	sadd.s32 s3, s2  }
0x8d: {  	s2 =	sadd.s32 s2, s15  }
0x8e: {  	[smem:$0x3FC7] =	sst s2  }
0x8f: {  	_ = 	snop  }
0x90: {  	s2 =	sld [smem:$0x3FD0];
	_ =	sdelay $0x2  }
0x91: {  	s4 =	simm.s32 $0xA;
	s5 =	simm.s32 $0x10;
	s16 =	sld [smem:$0x3FC9]  }
0x92: {  	[smem:s5], [sflag:s4] =	dma.local [hbm:s2], $0x1  }
0x93: {  	_ =	swait.eq [sflag:s4], $0x1  }
0x94: {  	[sflag:s4] =	ssyncset.done $0x0  }
0x95: {  	[sflag:s4] =	ssyncadd.s32 $0xFFFFFFFF  }
0x96: {  	s17 =	sld [smem:$0x10];
	(tm) =	ssettm $0x1  }
0x97: {  	s18 =	sld [smem:$0x3FFB];
	_ =	sdelay $0x3  }
0x98: {  	_ =	strace s18  }
0x99: {  	s4 =	sld [smem:$0x3FFC];
	_ =	sdelay $0x3  }
0x9a: {  	_ =	strace s4  }
0x9b: {  	s4 =	sld [smem:$0x3FFD];
	_ =	sdelay $0x3  }
0x9c: {  	_ =	strace s4  }
0x9d: {  	_ =	strace $0x8FFFFFFF  }
0x9e: {  	s19 =	sld [smem:$0x3FDB];
	_ =	sdelay $0x1  }
0x9f: {  	s20 =	simm.s32 $_scs_section_size  }
0xa0: {  	s6 =	simm.s32 $_size__tile_overlayer_lowered;
	s7 =	simm.s32 $_tile_overlayer_lowered  }
0xa1: {  	s23 =	simm.s32 $0x1BFF;
	s22 =	sshll.u32 s7, $0x1;
	s4 =	sadd.s32 s20, s19  }
0xa2: {  	s8 =	simm.s32 $0x0;
	s21 =	sshll.u32 s6, $0x1;
	s6 =	sadd.s32 s22, s4  }
0xa3: {  	[timem:s8], [sflag:s23] =	dma.local [hbm:s6], s21  }
0xa4: {  	_ =	swait.ge [sflag:s23], s21  }
0xa5: {  	s5 =	ssub.s32 $0x0, s21;
	[sflag:s23] =	ssyncset.done $0x0  }
0xa6: {  	[sflag:s23] =	ssyncadd.s32 s5;
	_ =	sdelay $0x1  }
0xa7: {  	s24 =	simm.s32 $0x1B8B  }
0xa8: {  	_ =	swait.ge [sflag:s24], $0x1  }
0xa9: {  	[sflag:s24] =	ssyncset.done $0x0  }
0xaa: {  	s25 =	simm.s32 $0x1B8E;
	[sflag:s24] =	ssyncadd.s32 $0xFFFFFFFF  }
0xab: {  	s26 =	simm.s32 $execute0_lowered;
	[smem:$0x3FD2] =	sst s25  }
0xac: {  	s5 =	sshll.u32 s26, $0x1;
	_ =	strace $0x80000046;
	[dreg:$0x1] =	wrdreg $0xFFFFFFFF  }
0xad: {  	s28 =	simm.s32 $_size_execute0_lowered;
	s4 =	sadd.s32 s4, s5;
	[dreg:$0x0] =	wrdreg $0x0  }
0xae: {  	s5 =	sshll.u32 s28, $0x1;
	[dreg:$0x2] =	wrdreg s4  }
0xaf: {  	[dreg:$0x3] =	wrdreg s5  }
0xb0: {  	[dreg:$0x4] =	wrdreg $0xC0  }
0xb1: {  	_ =	task [dreg:s8], $0x5FFFF  }
0xb2: {  	[dreg:$0x1] =	wrdreg $0xFFFFFFFF  }
0xb3: {  	[dreg:$0x0] =	wrdreg $0x60  }
0xb4: {  	[dreg:$0x2] =	wrdreg s16  }
0xb5: {  	[dreg:$0x3] =	wrdreg s17  }
0xb6: {  	[dreg:$0x4] =	wrdreg $0x9  }
0xb7: {  	_ =	task.clear_ibuf [dreg:s8], $0x5FFFF;
	_ =	strace $0x90000046  }
0xb8: {  	s29 =	simm.s32 $0x9;
	_ =	strace $0x80000048  }
0xb9: {  	_ =	swait.ge [sflag:s29], $0x1  }
0xba: {  	[sflag:s29] =	ssyncadd.s32 $0xFFFFFFFF  }
0xbb: {  	_ =	strace $0x90000048  }
0xbc: {  	_ =	sfence  }
0xbd: {  	s30 =	sld [smem:$0x0];
	_ =	sdelay $0x2  }
0xbe: {  	s31 =	sshll.u32 s1, $0xD;
	s1 =	sshrl.u32 s1, $0x2  }
0xbf: {  	s3 =	sand.u32 $0x4000, s31;
	s1 =	sadd.s32 s1, s30  }
0xc0: {  	s0 =	sor.u32 s3, s0;
	s1 =	sshll.u32 s1, $0x11  }
0xc1: {  	s0 =	sor.u32 s1, s0  }
0xc2: {  	s0 =	sadd.s32 $0x8F2B, s0  }
0xc3: {  	[sflag:s0] =	ssyncadd.remote.s32 $0x1  }
0xc4: {  	_ =	sfence.sel $0xFFFF  }
0xc5: {  	[dreg:$0x0] =	wrdreg $0xFFFFFFFF;
	(pc) =	sbr.abs _section_cstart, $3  }
0xc6: {  	[dreg:$0x1] =	wrdreg $0xFFFFFFFF  }
0xc7: {  	_ =	task.clear_ibuf [dreg:s8], $0x2FFFF;
	_ =	strace $0x9FFFFFFF  }
0xc8: {  	(tm) =	ssettm $0x7FFFFFFF  }
0xc9: {  	_ =	shalt  }
tec
execute0_lowered:
.L_overlay_start_1:
0x0: {  	(tag) =	ssettag $0x1  }
0x1: {  	s1 =	rddreg [dreg:$0x0]  }
0x2: {  	s2 =	rddreg [dreg:$0x1]  }
0x3: {  	s0 =	rddreg [dreg:$0x2]  }
0x4: {  	s4 =	srdreg.scid;
	s15 =	stileid.u32;
	s3 =	simm.s32 $0x0  }
0x5: {  	s10 =	simm.s32 $0x80;
	s11 =	simm.s32 $0x400;
	s12 =	simm.s32 $0x3  }
0x6: {  	s13 =	simm.s32 $0x800;
	s14 =	simm.s32 $0xA800;
	s16 =	simm.s32 $0x0  }
0x7: {  	s4 =	sand.u32 $0x1, s4;
	s5 =	sshll.u32 s15, $0x1;
	[smem:$0x7FF] =	sst s3  }
0x8: {  	p0 =	seq.s32 s15, $0x0;
	s6 =	ssub.s32 $0x2, s4;
	s4 =	sor.u32 s4, s5  }
.Ltmp0:
0x9: {  	_ =	strace $0x80000047;
	s31 =	sshrl.u32 s6, $0x1;
	(pc) =	sbr.rel .LBB2_1-.Ltmp0, $4  }
0xa: {  	v0 =	vlaneseq.u32;
	s7 =	smul.u32 $0x27, s4;
	s8 =	smin.u32 s4, $0x2;
	s4 =	simm.s32 $0x28  }
0xb: {  	v1 =	vimm.f32 $0.0e+00;
	v2 =	vimm.f32 $1.000000000e+00;
	v3 =	vor.u32 $0x10, v0;
	s9 =	ssub.s32 s6, s31;
	s4 =	simm.s32 @!p0 $0x27;
	p0 =	sne.s32 s15, $0x0  }
0xc: {  	v4 =	vor.u32 $0x20, v0;
	v5 =	vor.u32 $0x30, v0;
	v6 =	vor.u32 $0x40, v0;
	s15 =	simm.s32 $0x2;
	s5 =	sadd.s32 s8, s7;
	s8 =	smax.u32 s9, $0x1  }
0xd: {  	v7 =	vor.u32 $0x50, v0;
	v8 =	vor.u32 $0x60, v0;
	v9 =	vor.u32 $0x70, v0;
	s9 =	simm.s32 $0x1;
	s6 =	sadd.s32 $0xFFFFFFFE, s5;
	s7 =	sadd.s32 $0xFFFFFFFF, s5  }
.LBB2_19:
0xe: {  	s16 =	sadd.s32 $0x1, s16  }
0xf: {  	_ =	swait.ge [sflag:s9], $0xA000;
	p1 =	sne.s32 s16, s8  }
.Ltmp1:
0x10: {  	[sflag:s9] =	ssyncset.done $0x0;
	(pc) =	sbr.rel @!p1 .LBB2_20-.Ltmp1, $4  }
0x11: {  	s17 =	simm.s32 @!p0 $0x2;
	[sflag:s9] =	ssyncadd.s32 $0xFFFF6000  }
0x12: {  	_ =	swait.ge @!p0 [sflag:s17], $0xA000  }
0x13: {  	[sflag:s17] =	ssyncset.done @!p0 $0x0  }
0x14: {  	[sflag:s17] =	ssyncadd.s32 @!p0 $0xFFFF6000  }
.LBB2_1:
0x15: {  	s17 =	simm.s32 $0x0  }
0x16: {  	s18 =	simm.s32 $0x0;
	s17 =	sand.u32 $0xFFFFE000, s17  }
0x17: {  	s19 =	simm.s32 $0x0;
	s18 =	sand.u32 $0x380, s18;
	s17 =	sadd.s32 $0x0, s17  }
0x18: {  	s31 =	sand.u32 $0xFFFFE000, s19;
	s17 =	sadd.s32 s18, s17  }
0x19: {  	s18 =	ssub.s32 s17, s31  }
0x1a: {  	[tilespmem:s18+$0xA870] =	vst v1  }
0x1b: {  	[tilespmem:s18+$0x800] =	vst v1  }
0x1c: {  	[tilespmem:s18+$0xA800] =	vst v1  }
0x1d: {  	[tilespmem:s18+$0x810] =	vst v1  }
0x1e: {  	[tilespmem:s18+$0xA810] =	vst v1  }
0x1f: {  	[tilespmem:s18+$0x820] =	vst v1  }
0x20: {  	[tilespmem:s18+$0xA820] =	vst v1  }
0x21: {  	[tilespmem:s18+$0x830] =	vst v1  }
0x22: {  	[tilespmem:s18+$0xA830] =	vst v1  }
0x23: {  	[tilespmem:s18+$0x840] =	vst v1  }
0x24: {  	s20 =	simm.s32 $0x8;
	s21 =	simm.s32 $0x0;
	s19 =	simm.s32 $0x0;
	[tilespmem:s18+$0xA840] =	vst v1  }
.LBB2_2:
0x25: {  	s17 =	sshll.u32 s20, $0x4;
	s19 =	sadd.s32 $0x8, s19;
	[tilespmem:s18+$0x850] =	vst v1;
	s21 =	sadd.s32 $0x400, s21  }
0x26: {  	s22 =	sshll.u32 s20, $0x1;
	s17 =	sand.u32 $0xFFFFE000, s17;
	p1 =	slt.u32 s19, $0x9F8;
	[tilespmem:s18+$0xA850] =	vst v1  }
0x27: {  	s23 =	sshll.u32 s20, $0x7;
	s22 =	sand.u32 $0x380, s22;
	s17 =	sadd.s32 s17, s21;
	[tilespmem:s18+$0x860] =	vst v1  }
0x28: {  	s17 =	sadd.s32 s22, s17;
	s22 =	sand.u32 $0xFFFFE000, s23;
	[tilespmem:s18+$0xA860] =	vst v1  }
0x29: {  	[tilespmem:s18+$0x870] =	vst v1;
	s18 =	ssub.s32 s17, s22  }
0x2a: {  	s17 =	simm.s32 $0x0;
	[tilespmem:s18+$0xA870] =	vst v1  }
0x2b: {  	[tilespmem:s18+$0x800] =	vst v1  }
0x2c: {  	[tilespmem:s18+$0xA800] =	vst v1  }
0x2d: {  	[tilespmem:s18+$0x810] =	vst v1  }
0x2e: {  	[tilespmem:s18+$0xA810] =	vst v1  }
0x2f: {  	[tilespmem:s18+$0x820] =	vst v1  }
.Ltmp2:
0x30: {  	[tilespmem:s18+$0xA820] =	vst v1;
	(pc) =	sbr.rel @p1 .LBB2_2-.Ltmp2, $4  }
0x31: {  	[tilespmem:s18+$0x830] =	vst v1  }
0x32: {  	[tilespmem:s18+$0xA830] =	vst v1  }
0x33: {  	[tilespmem:s18+$0x840] =	vst v1  }
0x34: {  	s20 =	sadd.s32 $0x8, s20;
	[tilespmem:s18+$0xA840] =	vst v1  }
.Ltmp3:
0x35: {  	[tilespmem:s18+$0x850] =	vst v1;
	(pc) =	sbr.rel .LBB2_4-.Ltmp3, $4  }
0x36: {  	[tilespmem:s18+$0xA850] =	vst v1  }
0x37: {  	[tilespmem:s18+$0x860] =	vst v1  }
0x38: {  	[tilespmem:s18+$0xA860] =	vst v1  }
0x39: {  	[tilespmem:s18+$0x870] =	vst v1  }
.LBB2_18:
0x3a: {  	s17 =	sadd.s32 $0x1, s17  }
0x3b: {  	p1 =	sne.s32 s17, $0x14  }
.Ltmp4:
0x3c: {  	_ = 	snop;
	(pc) =	sbr.rel @!p1 .LBB2_19-.Ltmp4, $1  }
0x3d: {  	_ =	sdelay $0x3  }
.LBB2_4:
0x3e: {  	s18 =	sshll.u32 s17, $0x1  }
0x3f: {  	s19 =	sadd.s32 s18, s6  }
0x40: {  	s20 =	smulhi.u32 $0x51EB851F, s19;
	s21 =	sshra.s32 s19, $0x1F  }
0x41: {  	s21 =	smul.u32 $0x51EB851F, s21;
	_ =	sdelay $0x1  }
0x42: {  	s20 =	sadd.s32 s21, s20  }
0x43: {  	s21 =	sshrl.u32 s20, $0x1F;
	s20 =	sshra.s32 s20, $0x3  }
0x44: {  	s20 =	sadd.s32 s21, s20  }
0x45: {  	s21 =	smul.u32 $0xFFFFFFE7, s20  }
0x46: {  	s22 =	ssub.s32 $0x0, s19  }
0x47: {  	p1 =	slt.s32 s19, $0x1;
	p2 =	sne.s32 s21, s22  }
0x48: {  	p1 =	por !p1, !p2  }
0x49: {  	s21 =	simm.s32 $0x1;
	p1 =	por !p1, !p1  }
0x4a: {  	s21 =	simm.s32 @!p1 $0x0;
	p1 =	seq.s32 s17, $0x0  }
.Ltmp5:
0x4b: {  	_ = 	snop;
	(pc) =	sbr.rel @p1 .LBB2_7-.Ltmp5, $2  }
0x4c: {  	_ =	sdelay $0x2  }
0x4d: {  	s20 =	ssub.s32 s20, s21  }
0x4e: {  	s21 =	smul.u32 $0xFFFFFFE7, s20;
	_ =	sdelay $0x1  }
0x4f: {  	s19 =	sadd.s32 s19, s21  }
0x50: {  	_ =	swait.ge [sflag:s9], $0xA000;
	s19 =	smul.u32 $0x28, s19  }
0x51: {  	s22 =	simm.s32 $0x40;
	[sflag:s9] =	ssyncset.done $0x0  }
0x52: {  	[sflag:s9] =	ssyncadd.s32 $0xFFFF6000;
	s21 =	simm.s32 $0x0;
	v10 =	vmov s19;
	s19 =	simm.s32 $0xFFFFFFF8  }
.LBB2_6:
0x53: {  	v11 =	vld [tilespmem:s22+$0xFFFFFFC0];
	_ =	sdelay $0x1  }
0x54: {  	v12 =	vmov s21  }
0x55: {  	v12 =	vshrl.u32 v12, $0x7  }
0x56: {  	v12 =	vshll.u32 v12, $0xA  }
0x57: {  	v12 =	vbroadcast v12, $0x0;
	v13 =	vsub.s32 v11, v10;
	v11 =	vshll.u32 v11, $0x7  }
0x58: {  	v14 =	vshll.u32 v13, $0xA;
	v11 =	vand.u32 $0x380, v11  }
0x59: {  	v14 =	vand.u32 $0xFFFFE000, v14;
	v11 =	vor.u32 v11, v12  }
0x5a: {  	vm0 =	vlt.u32 v13, $0x28;
	v11 =	vor.u32 v14, v11  }
0x5b: {  	v11 =	vor.u32 v0, v11;
	_ =	sdelay $0x4  }
0x5c: {  	[tilespmem:v11+s13+$0x0] =	vst.idx.msk vm0, v1  }
0x5d: {  	v11 =	vld [tilespmem:s22+$0xFFFFFFD0];
	_ =	sdelay $0x4  }
0x5e: {  	v50 =	vsub.s32 v11, v10  }
0x5f: {  	v51 =	vshll.u32 v50, $0xA  }
0x60: {  	v11 =	vshll.u32 v11, $0x7;
	v14 =	vand.u32 $0xFFFFE000, v51  }
0x61: {  	v11 =	vand.u32 $0x380, v11;
	v14 =	vadd.s32 v12, v14  }
0x62: {  	vm9 =	vlt.u32 v50, $0x28;
	v11 =	vor.u32 v11, v14  }
0x63: {  	v11 =	vor.u32 v3, v11;
	_ =	sdelay $0x4  }
0x64: {  	[tilespmem:v11+s13+$0x0] =	vst.idx.msk vm9, v1  }
0x65: {  	v11 =	vld [tilespmem:s22+$0xFFFFFFE0];
	_ =	sdelay $0x4  }
0x66: {  	v52 =	vsub.s32 v11, v10  }
0x67: {  	v53 =	vshll.u32 v52, $0xA  }
0x68: {  	v11 =	vshll.u32 v11, $0x7;
	v14 =	vand.u32 $0xFFFFE000, v53  }
0x69: {  	v11 =	vand.u32 $0x380, v11;
	v14 =	vadd.s32 v12, v14  }
0x6a: {  	vm10 =	vlt.u32 v52, $0x28;
	v11 =	vor.u32 v11, v14  }
0x6b: {  	v11 =	vor.u32 v4, v11;
	_ =	sdelay $0x4  }
0x6c: {  	[tilespmem:v11+s13+$0x0] =	vst.idx.msk vm10, v1  }
0x6d: {  	v11 =	vld [tilespmem:s22+$0xFFFFFFF0];
	_ =	sdelay $0x4  }
0x6e: {  	v54 =	vsub.s32 v11, v10  }
0x6f: {  	v55 =	vshll.u32 v54, $0xA  }
0x70: {  	v11 =	vshll.u32 v11, $0x7;
	v14 =	vand.u32 $0xFFFFE000, v55  }
0x71: {  	v11 =	vand.u32 $0x380, v11;
	v14 =	vadd.s32 v12, v14  }
0x72: {  	vm11 =	vlt.u32 v54, $0x28;
	v11 =	vor.u32 v11, v14  }
0x73: {  	v11 =	vor.u32 v5, v11;
	_ =	sdelay $0x4  }
0x74: {  	[tilespmem:v11+s13+$0x0] =	vst.idx.msk vm11, v1  }
0x75: {  	v11 =	vld [tilespmem:s22+$0x0];
	_ =	sdelay $0x4  }
0x76: {  	v56 =	vsub.s32 v11, v10  }
0x77: {  	v57 =	vshll.u32 v56, $0xA  }
0x78: {  	v11 =	vshll.u32 v11, $0x7;
	v14 =	vand.u32 $0xFFFFE000, v57  }
0x79: {  	v11 =	vand.u32 $0x380, v11;
	v14 =	vadd.s32 v12, v14  }
0x7a: {  	vm12 =	vlt.u32 v56, $0x28;
	v11 =	vor.u32 v11, v14  }
0x7b: {  	v11 =	vor.u32 v6, v11;
	_ =	sdelay $0x4  }
0x7c: {  	[tilespmem:v11+s13+$0x0] =	vst.idx.msk vm12, v1  }
0x7d: {  	v11 =	vld [tilespmem:s22+$0x10];
	_ =	sdelay $0x4  }
0x7e: {  	v58 =	vsub.s32 v11, v10  }
0x7f: {  	v59 =	vshll.u32 v58, $0xA  }
0x80: {  	v11 =	vshll.u32 v11, $0x7;
	v14 =	vand.u32 $0xFFFFE000, v59  }
0x81: {  	v11 =	vand.u32 $0x380, v11;
	v14 =	vadd.s32 v12, v14  }
0x82: {  	vm13 =	vlt.u32 v58, $0x28;
	v11 =	vor.u32 v11, v14  }
0x83: {  	v11 =	vor.u32 v7, v11;
	_ =	sdelay $0x4  }
0x84: {  	[tilespmem:v11+s13+$0x0] =	vst.idx.msk vm13, v1  }
0x85: {  	v11 =	vld [tilespmem:s22+$0x20];
	_ =	sdelay $0x4  }
0x86: {  	v60 =	vsub.s32 v11, v10  }
0x87: {  	v61 =	vshll.u32 v60, $0xA  }
0x88: {  	v11 =	vshll.u32 v11, $0x7;
	v14 =	vand.u32 $0xFFFFE000, v61  }
0x89: {  	v11 =	vand.u32 $0x380, v11;
	v14 =	vadd.s32 v12, v14  }
0x8a: {  	vm14 =	vlt.u32 v60, $0x28;
	v11 =	vor.u32 v11, v14  }
0x8b: {  	v11 =	vor.u32 v8, v11;
	_ =	sdelay $0x4  }
0x8c: {  	[tilespmem:v11+s13+$0x0] =	vst.idx.msk vm14, v1  }
0x8d: {  	v11 =	vld [tilespmem:s22+$0x30];
	_ =	sdelay $0x4  }
0x8e: {  	v62 =	vsub.s32 v11, v10  }
0x8f: {  	v63 =	vshll.u32 v62, $0xA  }
0x90: {  	v11 =	vshll.u32 v11, $0x7;
	v14 =	vand.u32 $0xFFFFE000, v63  }
0x91: {  	v11 =	vand.u32 $0x380, v11;
	v12 =	vadd.s32 v12, v14  }
0x92: {  	s19 =	sadd.s32 $0x8, s19;
	vm15 =	vlt.u32 v62, $0x28;
	v11 =	vor.u32 v11, v12  }
0x93: {  	p2 =	slt.u32 s19, $0x38;
	v11 =	vor.u32 v9, v11  }
.Ltmp6:
0x94: {  	_ = 	snop;
	(pc) =	sbr.rel @p2 .LBB2_6-.Ltmp6, $2  }
0x95: {  	_ =	sdelay $0x2  }
0x96: {  	s21 =	sadd.s32 $0x80, s21;
	s22 =	sadd.s32 $0x80, s22;
	[tilespmem:v11+s13+$0x0] =	vst.idx.msk vm15, v1  }
.LBB2_7:
0x97: {  	p2 =	sge.u32 s18, s4  }
.Ltmp7:
0x98: {  	_ = 	snop;
	(pc) =	sbr.rel @p2 .LBB2_11-.Ltmp7, $1  }
0x99: {  	_ =	sdelay $0x3  }
0x9a: {  	s21 =	sadd.s32 s5, s18  }
0x9b: {  	s19 =	smulhi.u32 $0x51EB851F, s21;
	_ =	sdelay $0x1  }
0x9c: {  	s19 =	sshrl.u32 s19, $0x3  }
0x9d: {  	p2 =	seq.s32 @!p1 s19, s20  }
0x9e: {  	p2 =	por p1, !p2  }
0x9f: {  	s20 =	sshll.u32 @p2 s19, $0xA;
	s22 =	sshll.u32 @p2 s19, $0x7  }
0xa0: {  	s20 =	sand.u32 @p2 $0xFFFFE000, s20;
	s22 =	sand.u32 @p2 $0x380, s22  }
0xa1: {  	s20 =	sor.u32 @p2 s22, s20  }
0xa2: {  	s20 =	sshrl.u32 @p2 s20, $0x3  }
0xa3: {  	s31 =	smul.u32 $0xFFFFFFE7, s19;
	s20 =	sadd.s32 @p2 s1, s20  }
0xa4: {  	[tilespmem:s3], [sflag:$0x3] =	stream.strided.gather @p2 [hbm4b:s20+s10], $0x400, s11, s10, $0x38;
	[tilespmem:$0x14800] =	vst v63  }
0xa5: {  	s20 =	sadd.s32 s21, s31  }
0xa6: {  	_ =	swait.ge @p2 [sflag:s12], $0x400;
	s21 =	smul.u32 $0x28, s20  }
0xa7: {  	s23 =	simm.s32 $0x40;
	[sflag:s12] =	ssyncset.done @p2 $0x0  }
0xa8: {  	s22 =	simm.s32 $0x0;
	[sflag:s12] =	ssyncadd.s32 @p2 $0xFFFFFC00;
	v10 =	vmov s21;
	s21 =	simm.s32 $0xFFFFFFF8  }
.LBB2_9:
0xa9: {  	v11 =	vld [tilespmem:s23+$0xFFFFFFC0];
	_ =	sdelay $0x1  }
0xaa: {  	v12 =	vmov s22  }
0xab: {  	v12 =	vshrl.u32 v12, $0x7  }
0xac: {  	v12 =	vshll.u32 v12, $0xA  }
0xad: {  	v12 =	vbroadcast v12, $0x0;
	v13 =	vsub.s32 v11, v10;
	v11 =	vshll.u32 v11, $0x7  }
0xae: {  	v14 =	vshll.u32 v13, $0xA;
	v11 =	vand.u32 $0x380, v11  }
0xaf: {  	v14 =	vand.u32 $0xFFFFE000, v14;
	v11 =	vor.u32 v11, v12  }
0xb0: {  	vm0 =	vlt.u32 v13, $0x28;
	v11 =	vor.u32 v14, v11  }
0xb1: {  	v11 =	vor.u32 v0, v11;
	_ =	sdelay $0x4  }
0xb2: {  	[tilespmem:v11+s13+$0x0] =	vst.idx.msk vm0, v2  }
0xb3: {  	v11 =	vld [tilespmem:s23+$0xFFFFFFD0];
	_ =	sdelay $0x4  }
0xb4: {  	v50 =	vsub.s32 v11, v10  }
0xb5: {  	v51 =	vshll.u32 v50, $0xA  }
0xb6: {  	v11 =	vshll.u32 v11, $0x7;
	v14 =	vand.u32 $0xFFFFE000, v51  }
0xb7: {  	v11 =	vand.u32 $0x380, v11;
	v14 =	vadd.s32 v12, v14  }
0xb8: {  	vm9 =	vlt.u32 v50, $0x28;
	v11 =	vor.u32 v11, v14  }
0xb9: {  	v11 =	vor.u32 v3, v11;
	_ =	sdelay $0x4  }
0xba: {  	[tilespmem:v11+s13+$0x0] =	vst.idx.msk vm9, v2  }
0xbb: {  	v11 =	vld [tilespmem:s23+$0xFFFFFFE0];
	_ =	sdelay $0x4  }
0xbc: {  	v52 =	vsub.s32 v11, v10  }
0xbd: {  	v53 =	vshll.u32 v52, $0xA  }
0xbe: {  	v11 =	vshll.u32 v11, $0x7;
	v14 =	vand.u32 $0xFFFFE000, v53  }
0xbf: {  	v11 =	vand.u32 $0x380, v11;
	v14 =	vadd.s32 v12, v14  }
0xc0: {  	vm10 =	vlt.u32 v52, $0x28;
	v11 =	vor.u32 v11, v14  }
0xc1: {  	v11 =	vor.u32 v4, v11;
	_ =	sdelay $0x4  }
0xc2: {  	[tilespmem:v11+s13+$0x0] =	vst.idx.msk vm10, v2  }
0xc3: {  	v11 =	vld [tilespmem:s23+$0xFFFFFFF0];
	_ =	sdelay $0x4  }
0xc4: {  	v54 =	vsub.s32 v11, v10  }
0xc5: {  	v55 =	vshll.u32 v54, $0xA  }
0xc6: {  	v11 =	vshll.u32 v11, $0x7;
	v14 =	vand.u32 $0xFFFFE000, v55  }
0xc7: {  	v11 =	vand.u32 $0x380, v11;
	v14 =	vadd.s32 v12, v14  }
0xc8: {  	vm11 =	vlt.u32 v54, $0x28;
	v11 =	vor.u32 v11, v14  }
0xc9: {  	v11 =	vor.u32 v5, v11;
	_ =	sdelay $0x4  }
0xca: {  	[tilespmem:v11+s13+$0x0] =	vst.idx.msk vm11, v2  }
0xcb: {  	v11 =	vld [tilespmem:s23+$0x0];
	_ =	sdelay $0x4  }
0xcc: {  	v56 =	vsub.s32 v11, v10  }
0xcd: {  	v57 =	vshll.u32 v56, $0xA  }
0xce: {  	v11 =	vshll.u32 v11, $0x7;
	v14 =	vand.u32 $0xFFFFE000, v57  }
0xcf: {  	v11 =	vand.u32 $0x380, v11;
	v14 =	vadd.s32 v12, v14  }
0xd0: {  	vm12 =	vlt.u32 v56, $0x28;
	v11 =	vor.u32 v11, v14  }
0xd1: {  	v11 =	vor.u32 v6, v11;
	_ =	sdelay $0x4  }
0xd2: {  	[tilespmem:v11+s13+$0x0] =	vst.idx.msk vm12, v2  }
0xd3: {  	v11 =	vld [tilespmem:s23+$0x10];
	_ =	sdelay $0x4  }
0xd4: {  	v58 =	vsub.s32 v11, v10  }
0xd5: {  	v59 =	vshll.u32 v58, $0xA  }
0xd6: {  	v11 =	vshll.u32 v11, $0x7;
	v14 =	vand.u32 $0xFFFFE000, v59  }
0xd7: {  	v11 =	vand.u32 $0x380, v11;
	v14 =	vadd.s32 v12, v14  }
0xd8: {  	vm13 =	vlt.u32 v58, $0x28;
	v11 =	vor.u32 v11, v14  }
0xd9: {  	v11 =	vor.u32 v7, v11;
	_ =	sdelay $0x4  }
0xda: {  	[tilespmem:v11+s13+$0x0] =	vst.idx.msk vm13, v2  }
0xdb: {  	v11 =	vld [tilespmem:s23+$0x20];
	_ =	sdelay $0x4  }
0xdc: {  	v60 =	vsub.s32 v11, v10  }
0xdd: {  	v61 =	vshll.u32 v60, $0xA  }
0xde: {  	v11 =	vshll.u32 v11, $0x7;
	v14 =	vand.u32 $0xFFFFE000, v61  }
0xdf: {  	v11 =	vand.u32 $0x380, v11;
	v14 =	vadd.s32 v12, v14  }
0xe0: {  	vm14 =	vlt.u32 v60, $0x28;
	v11 =	vor.u32 v11, v14  }
0xe1: {  	v11 =	vor.u32 v8, v11;
	_ =	sdelay $0x4  }
0xe2: {  	[tilespmem:v11+s13+$0x0] =	vst.idx.msk vm14, v2  }
0xe3: {  	v11 =	vld [tilespmem:s23+$0x30];
	_ =	sdelay $0x4  }
0xe4: {  	v62 =	vsub.s32 v11, v10  }
0xe5: {  	v63 =	vshll.u32 v62, $0xA  }
0xe6: {  	v11 =	vshll.u32 v11, $0x7;
	v14 =	vand.u32 $0xFFFFE000, v63  }
0xe7: {  	v11 =	vand.u32 $0x380, v11;
	v12 =	vadd.s32 v12, v14  }
0xe8: {  	s21 =	sadd.s32 $0x8, s21;
	vm15 =	vlt.u32 v62, $0x28;
	v11 =	vor.u32 v11, v12  }
0xe9: {  	p2 =	slt.u32 s21, $0x38;
	v11 =	vor.u32 v9, v11  }
.Ltmp8:
0xea: {  	_ = 	snop;
	(pc) =	sbr.rel @p2 .LBB2_9-.Ltmp8, $2  }
0xeb: {  	_ =	sdelay $0x2  }
0xec: {  	s22 =	sadd.s32 $0x80, s22;
	s23 =	sadd.s32 $0x80, s23;
	[tilespmem:v11+s13+$0x0] =	vst.idx.msk vm15, v2  }
0xed: {  	s19 =	smul.u32 $0xFA000, s19  }
0xee: {  	s20 =	smul.u32 $0xA000, s20;
	_ =	sdelay $0x1  }
0xef: {  	s19 =	sadd.s32 s19, s20  }
0xf0: {  	s19 =	sshrl.u32 s19, $0x3  }
0xf1: {  	s19 =	sadd.s32 s2, s19  }
0xf2: {  	[hbm4b:s19+s3] =	stream.linear.scatter [tilespmem:s13], [sflag:$0x1], $0xA000, $0x38;
	[tilespmem:$0x14800] =	vst v63  }
.LBB2_11:
0xf3: {  	s20 =	sadd.s32 s18, s7  }
0xf4: {  	s19 =	smulhi.u32 $0x51EB851F, s20;
	s21 =	sshra.s32 s20, $0x1F  }
0xf5: {  	s21 =	smul.u32 $0x51EB851F, s21;
	_ =	sdelay $0x1  }
0xf6: {  	s19 =	sadd.s32 s21, s19  }
0xf7: {  	s21 =	sshrl.u32 s19, $0x1F;
	s19 =	sshra.s32 s19, $0x3  }
0xf8: {  	s19 =	sadd.s32 s21, s19  }
0xf9: {  	s21 =	smul.u32 $0xFFFFFFE7, s19  }
0xfa: {  	s22 =	ssub.s32 $0x0, s20  }
.Ltmp9:
0xfb: {  	p2 =	slt.s32 s20, $0x1;
	p3 =	sne.s32 s21, s22;
	(pc) =	sbr.rel @p1 .LBB2_14-.Ltmp9, $4  }
0xfc: {  	p2 =	por !p2, !p3  }
0xfd: {  	s21 =	simm.s32 $0x1;
	p2 =	por !p2, !p2  }
0xfe: {  	s21 =	simm.s32 @!p2 $0x0  }
0xff: {  	s19 =	ssub.s32 s19, s21  }
0x100: {  	s21 =	smul.u32 $0xFFFFFFE7, s19;
	_ =	sdelay $0x1  }
0x101: {  	s20 =	sadd.s32 s20, s21  }
0x102: {  	_ =	swait.ge [sflag:s15], $0xA000;
	s20 =	smul.u32 $0x28, s20  }
0x103: {  	s22 =	simm.s32 $0x440;
	[sflag:s15] =	ssyncset.done $0x0  }
0x104: {  	[sflag:s15] =	ssyncadd.s32 $0xFFFF6000;
	s21 =	simm.s32 $0x0;
	v10 =	vmov s20;
	s20 =	simm.s32 $0xFFFFFFF8  }
.LBB2_13:
0x105: {  	v11 =	vld [tilespmem:s22+$0xFFFFFFC0];
	_ =	sdelay $0x1  }
0x106: {  	v12 =	vmov s21  }
0x107: {  	v12 =	vshrl.u32 v12, $0x7  }
0x108: {  	v12 =	vshll.u32 v12, $0xA  }
0x109: {  	v12 =	vbroadcast v12, $0x0;
	v13 =	vsub.s32 v11, v10;
	v11 =	vshll.u32 v11, $0x7  }
0x10a: {  	v14 =	vshll.u32 v13, $0xA;
	v11 =	vand.u32 $0x380, v11  }
0x10b: {  	v14 =	vand.u32 $0xFFFFE000, v14;
	v11 =	vor.u32 v11, v12  }
0x10c: {  	vm0 =	vlt.u32 v13, $0x28;
	v11 =	vor.u32 v14, v11  }
0x10d: {  	v11 =	vor.u32 v0, v11;
	_ =	sdelay $0x4  }
0x10e: {  	[tilespmem:v11+s14+$0x0] =	vst.idx.msk vm0, v1  }
0x10f: {  	v11 =	vld [tilespmem:s22+$0xFFFFFFD0];
	_ =	sdelay $0x4  }
0x110: {  	v50 =	vsub.s32 v11, v10  }
0x111: {  	v51 =	vshll.u32 v50, $0xA  }
0x112: {  	v11 =	vshll.u32 v11, $0x7;
	v14 =	vand.u32 $0xFFFFE000, v51  }
0x113: {  	v11 =	vand.u32 $0x380, v11;
	v14 =	vadd.s32 v12, v14  }
0x114: {  	vm9 =	vlt.u32 v50, $0x28;
	v11 =	vor.u32 v11, v14  }
0x115: {  	v11 =	vor.u32 v3, v11;
	_ =	sdelay $0x4  }
0x116: {  	[tilespmem:v11+s14+$0x0] =	vst.idx.msk vm9, v1  }
0x117: {  	v11 =	vld [tilespmem:s22+$0xFFFFFFE0];
	_ =	sdelay $0x4  }
0x118: {  	v52 =	vsub.s32 v11, v10  }
0x119: {  	v53 =	vshll.u32 v52, $0xA  }
0x11a: {  	v11 =	vshll.u32 v11, $0x7;
	v14 =	vand.u32 $0xFFFFE000, v53  }
0x11b: {  	v11 =	vand.u32 $0x380, v11;
	v14 =	vadd.s32 v12, v14  }
0x11c: {  	vm10 =	vlt.u32 v52, $0x28;
	v11 =	vor.u32 v11, v14  }
0x11d: {  	v11 =	vor.u32 v4, v11;
	_ =	sdelay $0x4  }
0x11e: {  	[tilespmem:v11+s14+$0x0] =	vst.idx.msk vm10, v1  }
0x11f: {  	v11 =	vld [tilespmem:s22+$0xFFFFFFF0];
	_ =	sdelay $0x4  }
0x120: {  	v54 =	vsub.s32 v11, v10  }
0x121: {  	v55 =	vshll.u32 v54, $0xA  }
0x122: {  	v11 =	vshll.u32 v11, $0x7;
	v14 =	vand.u32 $0xFFFFE000, v55  }
0x123: {  	v11 =	vand.u32 $0x380, v11;
	v14 =	vadd.s32 v12, v14  }
0x124: {  	vm11 =	vlt.u32 v54, $0x28;
	v11 =	vor.u32 v11, v14  }
0x125: {  	v11 =	vor.u32 v5, v11;
	_ =	sdelay $0x4  }
0x126: {  	[tilespmem:v11+s14+$0x0] =	vst.idx.msk vm11, v1  }
0x127: {  	v11 =	vld [tilespmem:s22+$0x0];
	_ =	sdelay $0x4  }
0x128: {  	v56 =	vsub.s32 v11, v10  }
0x129: {  	v57 =	vshll.u32 v56, $0xA  }
0x12a: {  	v11 =	vshll.u32 v11, $0x7;
	v14 =	vand.u32 $0xFFFFE000, v57  }
0x12b: {  	v11 =	vand.u32 $0x380, v11;
	v14 =	vadd.s32 v12, v14  }
0x12c: {  	vm12 =	vlt.u32 v56, $0x28;
	v11 =	vor.u32 v11, v14  }
0x12d: {  	v11 =	vor.u32 v6, v11;
	_ =	sdelay $0x4  }
0x12e: {  	[tilespmem:v11+s14+$0x0] =	vst.idx.msk vm12, v1  }
0x12f: {  	v11 =	vld [tilespmem:s22+$0x10];
	_ =	sdelay $0x4  }
0x130: {  	v58 =	vsub.s32 v11, v10  }
0x131: {  	v59 =	vshll.u32 v58, $0xA  }
0x132: {  	v11 =	vshll.u32 v11, $0x7;
	v14 =	vand.u32 $0xFFFFE000, v59  }
0x133: {  	v11 =	vand.u32 $0x380, v11;
	v14 =	vadd.s32 v12, v14  }
0x134: {  	vm13 =	vlt.u32 v58, $0x28;
	v11 =	vor.u32 v11, v14  }
0x135: {  	v11 =	vor.u32 v7, v11;
	_ =	sdelay $0x4  }
0x136: {  	[tilespmem:v11+s14+$0x0] =	vst.idx.msk vm13, v1  }
0x137: {  	v11 =	vld [tilespmem:s22+$0x20];
	_ =	sdelay $0x4  }
0x138: {  	v60 =	vsub.s32 v11, v10  }
0x139: {  	v61 =	vshll.u32 v60, $0xA  }
0x13a: {  	v11 =	vshll.u32 v11, $0x7;
	v14 =	vand.u32 $0xFFFFE000, v61  }
0x13b: {  	v11 =	vand.u32 $0x380, v11;
	v14 =	vadd.s32 v12, v14  }
0x13c: {  	vm14 =	vlt.u32 v60, $0x28;
	v11 =	vor.u32 v11, v14  }
0x13d: {  	v11 =	vor.u32 v8, v11;
	_ =	sdelay $0x4  }
0x13e: {  	[tilespmem:v11+s14+$0x0] =	vst.idx.msk vm14, v1  }
0x13f: {  	v11 =	vld [tilespmem:s22+$0x30];
	_ =	sdelay $0x4  }
0x140: {  	v62 =	vsub.s32 v11, v10  }
0x141: {  	v63 =	vshll.u32 v62, $0xA  }
0x142: {  	v11 =	vshll.u32 v11, $0x7;
	v14 =	vand.u32 $0xFFFFE000, v63  }
0x143: {  	v11 =	vand.u32 $0x380, v11;
	v12 =	vadd.s32 v12, v14  }
0x144: {  	s20 =	sadd.s32 $0x8, s20;
	vm15 =	vlt.u32 v62, $0x28;
	v11 =	vor.u32 v11, v12  }
0x145: {  	p2 =	slt.u32 s20, $0x38;
	v11 =	vor.u32 v9, v11  }
.Ltmp10:
0x146: {  	_ = 	snop;
	(pc) =	sbr.rel @p2 .LBB2_13-.Ltmp10, $2  }
0x147: {  	_ =	sdelay $0x2  }
0x148: {  	s21 =	sadd.s32 $0x80, s21;
	s22 =	sadd.s32 $0x80, s22;
	[tilespmem:v11+s14+$0x0] =	vst.idx.msk vm15, v1  }
.LBB2_14:
0x149: {  	s18 =	sor.u32 $0x1, s18  }
0x14a: {  	p2 =	sge.u32 s18, s4  }
.Ltmp11:
0x14b: {  	_ = 	snop;
	(pc) =	sbr.rel @p2 .LBB2_18-.Ltmp11, $1  }
0x14c: {  	_ =	sdelay $0x3  }
0x14d: {  	s20 =	sadd.s32 s5, s18  }
0x14e: {  	s18 =	smulhi.u32 $0x51EB851F, s20;
	_ =	sdelay $0x1  }
0x14f: {  	s18 =	sshrl.u32 s18, $0x3  }
0x150: {  	p2 =	seq.s32 @!p1 s18, s19  }
0x151: {  	p1 =	por p1, !p2  }
0x152: {  	s19 =	sshll.u32 @p1 s18, $0xA;
	s21 =	sshll.u32 @p1 s18, $0x7  }
0x153: {  	s19 =	sand.u32 @p1 $0xFFFFE000, s19;
	s21 =	sand.u32 @p1 $0x380, s21  }
0x154: {  	s19 =	sor.u32 @p1 s21, s19  }
0x155: {  	s19 =	sshrl.u32 @p1 s19, $0x3  }
0x156: {  	s31 =	smul.u32 $0xFFFFFFE7, s18;
	s19 =	sadd.s32 @p1 s1, s19  }
0x157: {  	[tilespmem:s11], [sflag:$0x3] =	stream.strided.gather @p1 [hbm4b:s19+s10], $0x400, s11, s10, $0x38;
	[tilespmem:$0x14800] =	vst v63  }
0x158: {  	s19 =	sadd.s32 s20, s31  }
0x159: {  	_ =	swait.ge @p1 [sflag:s12], $0x400;
	s20 =	smul.u32 $0x28, s19  }
0x15a: {  	s22 =	simm.s32 $0x440;
	[sflag:s12] =	ssyncset.done @p1 $0x0  }
0x15b: {  	s21 =	simm.s32 $0x0;
	[sflag:s12] =	ssyncadd.s32 @p1 $0xFFFFFC00;
	v10 =	vmov s20;
	s20 =	simm.s32 $0xFFFFFFF8  }
.LBB2_16:
0x15c: {  	v11 =	vld [tilespmem:s22+$0xFFFFFFC0];
	_ =	sdelay $0x1  }
0x15d: {  	v12 =	vmov s21  }
0x15e: {  	v12 =	vshrl.u32 v12, $0x7  }
0x15f: {  	v12 =	vshll.u32 v12, $0xA  }
0x160: {  	v12 =	vbroadcast v12, $0x0;
	v13 =	vsub.s32 v11, v10;
	v11 =	vshll.u32 v11, $0x7  }
0x161: {  	v14 =	vshll.u32 v13, $0xA;
	v11 =	vand.u32 $0x380, v11  }
0x162: {  	v14 =	vand.u32 $0xFFFFE000, v14;
	v11 =	vor.u32 v11, v12  }
0x163: {  	vm0 =	vlt.u32 v13, $0x28;
	v11 =	vor.u32 v14, v11  }
0x164: {  	v11 =	vor.u32 v0, v11;
	_ =	sdelay $0x4  }
0x165: {  	[tilespmem:v11+s14+$0x0] =	vst.idx.msk vm0, v2  }
0x166: {  	v11 =	vld [tilespmem:s22+$0xFFFFFFD0];
	_ =	sdelay $0x4  }
0x167: {  	v50 =	vsub.s32 v11, v10  }
0x168: {  	v51 =	vshll.u32 v50, $0xA  }
0x169: {  	v11 =	vshll.u32 v11, $0x7;
	v14 =	vand.u32 $0xFFFFE000, v51  }
0x16a: {  	v11 =	vand.u32 $0x380, v11;
	v14 =	vadd.s32 v12, v14  }
0x16b: {  	vm9 =	vlt.u32 v50, $0x28;
	v11 =	vor.u32 v11, v14  }
0x16c: {  	v11 =	vor.u32 v3, v11;
	_ =	sdelay $0x4  }
0x16d: {  	[tilespmem:v11+s14+$0x0] =	vst.idx.msk vm9, v2  }
0x16e: {  	v11 =	vld [tilespmem:s22+$0xFFFFFFE0];
	_ =	sdelay $0x4  }
0x16f: {  	v52 =	vsub.s32 v11, v10  }
0x170: {  	v53 =	vshll.u32 v52, $0xA  }
0x171: {  	v11 =	vshll.u32 v11, $0x7;
	v14 =	vand.u32 $0xFFFFE000, v53  }
0x172: {  	v11 =	vand.u32 $0x380, v11;
	v14 =	vadd.s32 v12, v14  }
0x173: {  	vm10 =	vlt.u32 v52, $0x28;
	v11 =	vor.u32 v11, v14  }
0x174: {  	v11 =	vor.u32 v4, v11;
	_ =	sdelay $0x4  }
0x175: {  	[tilespmem:v11+s14+$0x0] =	vst.idx.msk vm10, v2  }
0x176: {  	v11 =	vld [tilespmem:s22+$0xFFFFFFF0];
	_ =	sdelay $0x4  }
0x177: {  	v54 =	vsub.s32 v11, v10  }
0x178: {  	v55 =	vshll.u32 v54, $0xA  }
0x179: {  	v11 =	vshll.u32 v11, $0x7;
	v14 =	vand.u32 $0xFFFFE000, v55  }
0x17a: {  	v11 =	vand.u32 $0x380, v11;
	v14 =	vadd.s32 v12, v14  }
0x17b: {  	vm11 =	vlt.u32 v54, $0x28;
	v11 =	vor.u32 v11, v14  }
0x17c: {  	v11 =	vor.u32 v5, v11;
	_ =	sdelay $0x4  }
0x17d: {  	[tilespmem:v11+s14+$0x0] =	vst.idx.msk vm11, v2  }
0x17e: {  	v11 =	vld [tilespmem:s22+$0x0];
	_ =	sdelay $0x4  }
0x17f: {  	v56 =	vsub.s32 v11, v10  }
0x180: {  	v57 =	vshll.u32 v56, $0xA  }
0x181: {  	v11 =	vshll.u32 v11, $0x7;
	v14 =	vand.u32 $0xFFFFE000, v57  }
0x182: {  	v11 =	vand.u32 $0x380, v11;
	v14 =	vadd.s32 v12, v14  }
0x183: {  	vm12 =	vlt.u32 v56, $0x28;
	v11 =	vor.u32 v11, v14  }
0x184: {  	v11 =	vor.u32 v6, v11;
	_ =	sdelay $0x4  }
0x185: {  	[tilespmem:v11+s14+$0x0] =	vst.idx.msk vm12, v2  }
0x186: {  	v11 =	vld [tilespmem:s22+$0x10];
	_ =	sdelay $0x4  }
0x187: {  	v58 =	vsub.s32 v11, v10  }
0x188: {  	v59 =	vshll.u32 v58, $0xA  }
0x189: {  	v11 =	vshll.u32 v11, $0x7;
	v14 =	vand.u32 $0xFFFFE000, v59  }
0x18a: {  	v11 =	vand.u32 $0x380, v11;
	v14 =	vadd.s32 v12, v14  }
0x18b: {  	vm13 =	vlt.u32 v58, $0x28;
	v11 =	vor.u32 v11, v14  }
0x18c: {  	v11 =	vor.u32 v7, v11;
	_ =	sdelay $0x4  }
0x18d: {  	[tilespmem:v11+s14+$0x0] =	vst.idx.msk vm13, v2  }
0x18e: {  	v11 =	vld [tilespmem:s22+$0x20];
	_ =	sdelay $0x4  }
0x18f: {  	v60 =	vsub.s32 v11, v10  }
0x190: {  	v61 =	vshll.u32 v60, $0xA  }
0x191: {  	v11 =	vshll.u32 v11, $0x7;
	v14 =	vand.u32 $0xFFFFE000, v61  }
0x192: {  	v11 =	vand.u32 $0x380, v11;
	v14 =	vadd.s32 v12, v14  }
0x193: {  	vm14 =	vlt.u32 v60, $0x28;
	v11 =	vor.u32 v11, v14  }
0x194: {  	v11 =	vor.u32 v8, v11;
	_ =	sdelay $0x4  }
0x195: {  	[tilespmem:v11+s14+$0x0] =	vst.idx.msk vm14, v2  }
0x196: {  	v11 =	vld [tilespmem:s22+$0x30];
	_ =	sdelay $0x4  }
0x197: {  	v62 =	vsub.s32 v11, v10  }
0x198: {  	v63 =	vshll.u32 v62, $0xA  }
0x199: {  	v11 =	vshll.u32 v11, $0x7;
	v14 =	vand.u32 $0xFFFFE000, v63  }
0x19a: {  	v11 =	vand.u32 $0x380, v11;
	v12 =	vadd.s32 v12, v14  }
0x19b: {  	s20 =	sadd.s32 $0x8, s20;
	vm15 =	vlt.u32 v62, $0x28;
	v11 =	vor.u32 v11, v12  }
0x19c: {  	p1 =	slt.u32 s20, $0x38;
	v11 =	vor.u32 v9, v11  }
.Ltmp12:
0x19d: {  	_ = 	snop;
	(pc) =	sbr.rel @p1 .LBB2_16-.Ltmp12, $2  }
0x19e: {  	_ =	sdelay $0x2  }
0x19f: {  	s21 =	sadd.s32 $0x80, s21;
	s22 =	sadd.s32 $0x80, s22;
	[tilespmem:v11+s14+$0x0] =	vst.idx.msk vm15, v2  }
0x1a0: {  	s18 =	smul.u32 $0xFA000, s18  }
0x1a1: {  	s19 =	smul.u32 $0xA000, s19  }
.Ltmp13:
0x1a2: {  	_ = 	snop;
	(pc) =	sbr.rel .LBB2_18-.Ltmp13, $4  }
0x1a3: {  	s18 =	sadd.s32 s18, s19  }
0x1a4: {  	s18 =	sshrl.u32 s18, $0x3  }
0x1a5: {  	s18 =	sadd.s32 s2, s18  }
0x1a6: {  	[hbm4b:s18+s3] =	stream.linear.scatter [tilespmem:s14], [sflag:$0x2], $0xA000, $0x38;
	[tilespmem:$0x14800] =	vst v63  }
.LBB2_20:
0x1a7: {  	_ =	sfence.sel $0x180000  }
0x1a8: {  	[bflag:$0x0] =	sbarrier.arrive $0xFFFF  }
0x1a9: {  	_ =	strace $0x90000047  }
0x1aa: {  	s0 =	sadd.s32 @!p0 $0x100000, s0;
	[bflag:$0x2] =	sbarrier.arrive $0xFFFF  }
0x1ab: {  	[sflag:s0] =	ssyncadd.tile.s32 @!p0 $0x1;
	_ =	shalt  }
.Lfunc_end2:
_tile_overlayer_lowered:
.L_overlay_start_2:
0x1ac: {  	(tag) =	ssettag $0x2  }
0x1ad: {  	s0 =	rddreg [dreg:$0x0];
	s2 =	stileid.u32  }
0x1ae: {  	s1 =	rddreg [dreg:$0x1];
	p0 =	sne.s32 s2, $0x0  }
0x1af: {  	s3 =	rddreg [dreg:$0x2];
	[bflag:$0x3] =	sbarrier.arrive $0xFFFF;
	s2 =	simm.s32 @!p0 $0x1C03  }
0x1b0: {  	[timem:s3], [sflag:s2] =	dma.local @!p0 [hbm:s0], s1  }
0x1b1: {  	s0 =	simm.s32 @!p0 $0x3  }
0x1b2: {  	_ =	swait.ge @!p0 [sflag:s0], s1  }
0x1b3: {  	s1 =	ssub.s32 @!p0 $0x0, s1;
	[sflag:s0] =	ssyncset.done @!p0 $0x0  }
0x1b4: {  	[sflag:s0] =	ssyncadd.s32 @!p0 s1  }
0x1b5: {  	[bflag:$0x3] =	sbarrier.arrive $0xFFFF  }
0x1b6: {  	_ =	shalt  }

</sc_bundles>
